<compile_context>
chip_gen: v7x
topology: tpu7x:2x2x1
jax: 0.10.2.dev20260603
libtpu: 0.0.44.dev20260713+nightly
codegen_flags: <defaults>
</compile_context>

<pallas_src>
import functools

import jax
import jax.numpy as jnp
from jax import lax
from jax.experimental import pallas as pl
from jax.experimental.pallas import tpu as pltpu
from jax.experimental.pallas import tpu_sc as plsc

N = 10000
D = 128
G = 16
NHOPS = 3
E = 320000
NCORES = 2
NTILES = 16
NW = NCORES * NTILES
CHUNK = 128
NBUF = 2
CHUNKS = 80
TAIL = 8
IDXC = CHUNKS + TAIL
NPASS = 2
PCHUNKS = CHUNKS // NPASS
PIDX = PCHUNKS + TAIL
EPW = CHUNKS * CHUNK
PADDED_E = NW * EPW
PAD_ROWS = 112
NPAD = N + PAD_ROWS
ZROWS = NPAD // NTILES
RBLK = 2000
NBLK = N // RBLK



def _mlp4_body(ins, w1_ref, b1_ref, w2_ref, b2_ref, acc):
    for i in range(NHOPS + 1):
        h = jnp.dot(ins[i], w1_ref[i], preferred_element_type=jnp.float32)
        h = jnp.maximum(h + b1_ref[i][None, :], 0.0)
        acc = acc + jnp.dot(h, w2_ref[i], preferred_element_type=jnp.float32)
        acc = acc + b2_ref[i][None, :]
    return acc


def _x1_kernel(f_ref, h1_ref, h2_ref, h3_ref, w1_ref, b1_ref, w2_ref, b2_ref,
               out_ref):
    ins = (f_ref[...], h1_ref[...], h2_ref[...], h3_ref[...])
    out_ref[...] = _mlp4_body(ins, w1_ref, b1_ref, w2_ref, b2_ref,
                              jnp.zeros_like(out_ref))


def _row_spec():
    return pl.BlockSpec((RBLK, D), lambda i: (i, 0))


def _full(shape):
    return pl.BlockSpec(shape, lambda i: (0,) * len(shape))


def _x1_call(f, h1, h2, h3, w1, b1, w2, b2):
    return pl.pallas_call(
        _x1_kernel,
        grid=(NBLK,),
        in_specs=[_row_spec()] * 4 + [
            _full((NHOPS + 1, D, D)), _full((NHOPS + 1, D)),
            _full((NHOPS + 1, D, D)), _full((NHOPS + 1, D)),
        ],
        out_specs=_row_spec(),
        out_shape=jax.ShapeDtypeStruct((N, D), jnp.float32),
    )(f, h1, h2, h3, w1, b1, w2, b2)



def _sc_agg(x1_hbm, srcs_hbm, dsts_hbm, zeros_hbm, out_hbm,
            src_v, dst_v, r0, r1, acc_sh, g0, g1):
    rows = (r0, r1)
    gsems = (g0, g1)
    c = lax.axis_index("c")
    s = lax.axis_index("s")
    zsl = pl.ds(s * ZROWS, ZROWS)
    for hop in range(NHOPS):
        pltpu.sync_copy(zeros_hbm.at[zsl], acc_sh.at[zsl])
        plsc.subcore_barrier()
        for p in range(NPASS):
            pltpu.sync_copy(srcs_hbm.at[hop, c, s, pl.ds(p * PCHUNKS, PIDX)],
                            src_v)
            pltpu.sync_copy(dsts_hbm.at[hop, c, s, pl.ds(p * PCHUNKS, PIDX)],
                            dst_v)

            def _gather_start(j, b):
                pltpu.async_copy(x1_hbm.at[src_v.at[j]], rows[b], gsems[b])

            def _gather_wait(b):
                pltpu.make_async_copy(zeros_hbm.at[pl.ds(0, CHUNK)], rows[b],
                                      gsems[b]).wait()

            for b in range(NBUF):
                _gather_start(b, b)

            @pl.loop(0, PCHUNKS // NBUF)
            def _chunk_loop(jj):
                base = jj * NBUF
                for b in range(NBUF):
                    _gather_wait(b)
                    pltpu.sync_copy(rows[b], acc_sh.at[dst_v.at[base + b]],
                                    add=True)
                    _gather_start(base + NBUF + b, b)

            for b in range(NBUF):
                _gather_wait(b)
        plsc.subcore_barrier()
        pltpu.sync_copy(acc_sh.at[zsl], out_hbm.at[hop, c, zsl])


def _sc_call(x1, srcs, dsts, zeros):
    fn = functools.partial(
        pl.kernel, _sc_agg,
        out_type=jax.ShapeDtypeStruct((NHOPS, NCORES, NPAD, D), jnp.float32),
        mesh=plsc.VectorSubcoreMesh(core_axis_name="c", subcore_axis_name="s"),
        scratch_types=[
            pltpu.VMEM((PIDX, CHUNK), jnp.int32),
            pltpu.VMEM((PIDX, CHUNK), jnp.int32),
            pltpu.VMEM((CHUNK, D), jnp.float32),
            pltpu.VMEM((CHUNK, D), jnp.float32),
            pltpu.VMEM_SHARED((NPAD, D), jnp.float32),
            pltpu.SemaphoreType.DMA,
            pltpu.SemaphoreType.DMA,
        ],
    )()
    return fn(x1, srcs, dsts, zeros)


def _prep_edges(e1, e2, e3):
    pad = PADDED_E - E
    ar = jnp.arange(pad, dtype=jnp.int32)
    dpad = TAIL * CHUNK
    dar = jnp.arange(dpad, dtype=jnp.int32)
    dsrc = jnp.broadcast_to((dar % N).reshape(1, 1, TAIL, CHUNK),
                            (NCORES, NTILES, TAIL, CHUNK))
    ddst = jnp.broadcast_to((N + dar % PAD_ROWS).reshape(1, 1, TAIL, CHUNK),
                            (NCORES, NTILES, TAIL, CHUNK))
    srcs, dsts = [], []
    for e in (e1, e2, e3):
        src = jnp.concatenate([e[1], ar % N])
        dst = jnp.concatenate([e[0], N + (ar % PAD_ROWS)])
        src = src.reshape(NCORES, NTILES, CHUNKS, CHUNK)
        dst = dst.reshape(NCORES, NTILES, CHUNKS, CHUNK)
        srcs.append(jnp.concatenate([src, dsrc], axis=2))
        dsts.append(jnp.concatenate([dst, ddst], axis=2))
    return jnp.stack(srcs), jnp.stack(dsts)



def _final_kernel(x1_ref, p_ref, w1_ref, b1_ref, w2_ref, b2_ref,
                  linw_ref, linb_ref, batch_ref, out_ref):
    @pl.when(pl.program_id(0) == 0)
    def _init():
        out_ref[...] = jnp.zeros_like(out_ref)

    x1b = x1_ref[...]
    ins = (x1b,
           p_ref[0, 0] + p_ref[0, 1],
           p_ref[1, 0] + p_ref[1, 1],
           p_ref[2, 0] + p_ref[2, 1])
    x2 = _mlp4_body(ins, w1_ref, b1_ref, w2_ref, b2_ref, jnp.zeros_like(x1b))
    proj = (jnp.dot(x1b, linw_ref[0], preferred_element_type=jnp.float32)
            + jnp.dot(x2, linw_ref[1], preferred_element_type=jnp.float32)
            + linb_ref[...])
    b = batch_ref[0, 0, :]
    onehot = (b[None, :] == lax.broadcasted_iota(jnp.int32, (G, RBLK), 0)
              ).astype(jnp.float32)
    out_ref[...] += jnp.dot(onehot, proj, preferred_element_type=jnp.float32)


def _final_call(x1, parts, w1, b1, w2, b2, linw, linb, batch3):
    return pl.pallas_call(
        _final_kernel,
        grid=(NBLK,),
        in_specs=[
            _row_spec(),
            pl.BlockSpec((NHOPS, NCORES, RBLK, D), lambda i: (0, 0, i, 0)),
            _full((NHOPS + 1, D, D)), _full((NHOPS + 1, D)),
            _full((NHOPS + 1, D, D)), _full((NHOPS + 1, D)),
            _full((2, D, D)), _full((1, D)),
            pl.BlockSpec((1, 1, RBLK), lambda i: (i, 0, 0)),
        ],
        out_specs=_full((G, D)),
        out_shape=jax.ShapeDtypeStruct((G, D), jnp.float32),
    )(x1, parts, w1, b1, w2, b2, linw, linb, batch3)



def kernel(x, rw_feature, hop1_features, hop2_features, hop3_features,
           hop1_edges, hop2_edges, hop3_edges, batch,
           W1_l1, b1_l1, W2_l1, b2_l1, W1_l2, b1_l2, W2_l2, b2_l2,
           lin_W, lin_b):
    f = jnp.concatenate([x, rw_feature], axis=1)
    x1 = _x1_call(f, hop1_features, hop2_features, hop3_features,
                  W1_l1, b1_l1, W2_l1, b2_l1)
    srcs, dsts = _prep_edges(hop1_edges, hop2_edges, hop3_edges)
    zeros = jnp.zeros((NPAD, D), jnp.float32)
    parts = _sc_call(x1, srcs, dsts, zeros)
    return _final_call(x1, parts, W1_l2, b1_l2, W2_l2, b2_l2,
                       lin_W.reshape(2, D, D), lin_b.reshape(1, D),
                       batch.reshape(NBLK, 1, RBLK))

# --- scband reference (transcript-rebuilt; emitter-appended) ---
"""Pipeline reference for scband-mhc-gnn-82721070121703 (READ-ONLY COPY).

The authoritative reference and input builder live on the scoring server;
editing this copy changes nothing except your own understanding.
"""

import jax, jax.numpy as jnp
import numpy as np

N = 10000
E = 320000
D_X = 112
D_RW = 16
D_IN = 128
D_OUT = 128
NUM_HOPS = 3
NUM_GRAPHS = 16


def _mlp_stack(key, in_dim, out_dim, n):
    k1, k2 = jax.random.split(key)
    s1 = 1.0 / np.sqrt(in_dim)
    s2 = 1.0 / np.sqrt(out_dim)
    W1 = jax.random.uniform(k1, (n, in_dim, out_dim), minval=-s1, maxval=s1, dtype=jnp.float32)
    b1 = jnp.zeros((n, out_dim), dtype=jnp.float32)
    W2 = jax.random.uniform(k2, (n, out_dim, out_dim), minval=-s2, maxval=s2, dtype=jnp.float32)
    b2 = jnp.zeros((n, out_dim), dtype=jnp.float32)
    return W1, b1, W2, b2


def setup_inputs(seed: int = 0) -> dict:
    key = jax.random.key(seed)
    ks = jax.random.split(key, 16)
    inp = {}
    inp["x"] = jax.random.normal(ks[0], (N, D_X), dtype=jnp.float32)
    inp["rw_feature"] = jax.random.normal(ks[1], (N, D_RW), dtype=jnp.float32)
    inp["hop1_features"] = jax.random.normal(ks[2], (N, D_IN), dtype=jnp.float32)
    inp["hop2_features"] = jax.random.normal(ks[3], (N, D_IN), dtype=jnp.float32)
    inp["hop3_features"] = jax.random.normal(ks[4], (N, D_IN), dtype=jnp.float32)
    inp["hop1_edges"] = jax.random.randint(ks[5], (2, E), 0, N, dtype=jnp.int32)
    inp["hop2_edges"] = jax.random.randint(ks[6], (2, E), 0, N, dtype=jnp.int32)
    inp["hop3_edges"] = jax.random.randint(ks[7], (2, E), 0, N, dtype=jnp.int32)
    inp["batch"] = jnp.sort(jax.random.randint(ks[8], (N,), 0, NUM_GRAPHS, dtype=jnp.int32))
    W1a, b1a, W2a, b2a = _mlp_stack(ks[9], D_IN, D_OUT, NUM_HOPS + 1)
    W1b, b1b, W2b, b2b = _mlp_stack(ks[10], D_OUT, D_OUT, NUM_HOPS + 1)
    inp["W1_l1"], inp["b1_l1"], inp["W2_l1"], inp["b2_l1"] = W1a, b1a, W2a, b2a
    inp["W1_l2"], inp["b1_l2"], inp["W2_l2"], inp["b2_l2"] = W1b, b1b, W2b, b2b
    s = 1.0 / np.sqrt(2 * D_OUT)
    inp["lin_W"] = jax.random.uniform(ks[11], (2 * D_OUT, D_OUT), minval=-s, maxval=s, dtype=jnp.float32)
    inp["lin_b"] = jnp.zeros((D_OUT,), dtype=jnp.float32)
    return inp


def _mlp(x, W1, b1, W2, b2):
    # Linear -> ReLU -> Dropout(eval: identity) -> Linear
    h = jnp.maximum(x @ W1 + b1, 0.0)
    return h @ W2 + b2


def reference(x, rw_feature, hop1_features, hop2_features, hop3_features,
              hop1_edges, hop2_edges, hop3_edges, batch,
              W1_l1, b1_l1, W2_l1, b2_l1, W1_l2, b1_l2, W2_l2, b2_l2,
              lin_W, lin_b):
    # f = cat(x, rw_feature)
    f = jnp.concatenate([x, rw_feature], axis=1)
    ins1 = [f, hop1_features, hop2_features, hop3_features]
    # first MHC layer: sum of per-hop MLP outputs
    x1 = ins1[0] @ W1_l1[0]  # placeholder init replaced below
    x1 = sum(_mlp(ins1[i], W1_l1[i], b1_l1[i], W2_l1[i], b2_l1[i]) for i in range(NUM_HOPS + 1))
    # second layer: hop propagation via sparse mm (A @ x1 -> scatter-add of gathered src feats)
    hs = [x1]
    for e in (hop1_edges, hop2_edges, hop3_edges):
        gathered = jnp.take(x1, e[1], axis=0)
        hs.append(jax.ops.segment_sum(gathered, e[0], num_segments=N))
    x2 = sum(_mlp(hs[i], W1_l2[i], b1_l2[i], W2_l2[i], b2_l2[i]) for i in range(NUM_HOPS + 1))
    # concat=True path: lin(cat(out)) then global_add_pool over batch
    cat = jnp.concatenate([x1, x2], axis=1)
    proj = cat @ lin_W + lin_b
    rep = jax.ops.segment_sum(proj, batch, num_segments=NUM_GRAPHS)
    return rep

if __name__ == "__main__":
    import jax
    _d = setup_inputs()
    print(jax.jit(kernel)(*tuple(_d.values())))

</pallas_src>

<mosaic_0001>
#map = affine_map<(d0, d1) -> (0, 0)>
#map1 = affine_map<(d0, d1) -> (0, 0, 0, 0, 0)>
#map2 = affine_map<(d0, d1) -> (0, 0, 0, 0)>
module attributes {stable_mosaic.version = 14 : i64} {
  func.func @_sc_agg(%arg0: i32, %arg1: i32, %arg2: memref<10000x128xf32, #tpu.memory_space<hbm>>, %arg3: memref<3x2x16x88x128xi32, #tpu.memory_space<hbm>>, %arg4: memref<3x2x16x88x128xi32, #tpu.memory_space<hbm>>, %arg5: memref<10112x128xf32, #tpu.memory_space<hbm>>, %arg6: memref<3x2x10112x128xf32, #tpu.memory_space<hbm>>, %arg7: memref<48x128xi32, #tpu.memory_space<vmem>>, %arg8: memref<48x128xi32, #tpu.memory_space<vmem>>, %arg9: memref<128x128xf32, #tpu.memory_space<vmem>>, %arg10: memref<128x128xf32, #tpu.memory_space<vmem>>, %arg11: memref<10112x128xf32, #tpu.memory_space<vmem_shared>>, %arg12: memref<!tpu.dma_semaphore, #tpu.memory_space<semaphore_mem>>, %arg13: memref<!tpu.dma_semaphore, #tpu.memory_space<semaphore_mem>>) attributes {dimension_semantics = [#tpu.dimension_semantics<core_parallel>, #tpu.dimension_semantics<subcore_parallel>], iteration_bounds = array<i64: 2, 16>, scalar_prefetch = 0 : i64, scratch_operands = 7 : i64, tpu.core_type = #tpu.core_type<sc_vector_subcore>, window_params = [{transform_indices = #map}, {transform_indices = #map1}, {transform_indices = #map1}, {transform_indices = #map}, {transform_indices = #map2}]} {
    %mul3A = arith.constant 632 : i32
    %mul3A_0 = arith.muli %arg1, %mul3A : i32
    "tpu.region"() ({
      %run_scoped3A_203 = tpu.sem_alloc : memref<!tpu.dma_semaphore, #tpu.memory_space<semaphore_mem>>
      %dma_start3A_204 = arith.constant 0 : i32
      %dma_start3A_205 = tpu.memref_slice %arg11[%mul3A_0, %dma_start3A_204] : memref<10112x128xf32, #tpu.memory_space<vmem_shared>> -> memref<632x128xf32, #tpu.memory_space<vmem_shared>>
      %dma_start3A_206 = arith.constant 0 : i32
      %dma_start3A_207 = tpu.memref_slice %arg5[%mul3A_0, %dma_start3A_206] : memref<10112x128xf32, #tpu.memory_space<hbm>> -> memref<632x128xf32, #tpu.memory_space<hbm>>
      tpu.enqueue_dma source(%dma_start3A_207 : memref<632x128xf32, #tpu.memory_space<hbm>>) target(%dma_start3A_205 : memref<632x128xf32, #tpu.memory_space<vmem_shared>>) target_semaphore(%run_scoped3A_203 : memref<!tpu.dma_semaphore, #tpu.memory_space<semaphore_mem>>)
      %dma_wait3A_208 = arith.constant 0 : i32
      %dma_wait3A_209 = tpu.memref_slice %arg11[%mul3A_0, %dma_wait3A_208] : memref<10112x128xf32, #tpu.memory_space<vmem_shared>> -> memref<632x128xf32, #tpu.memory_space<vmem_shared>>
      %dma_wait3A_210 = arith.constant 0 : i32
      %dma_wait3A_211 = tpu.memref_slice %arg5[%mul3A_0, %dma_wait3A_210] : memref<10112x128xf32, #tpu.memory_space<hbm>> -> memref<632x128xf32, #tpu.memory_space<hbm>>
      tpu.wait_dma2 semaphore(%run_scoped3A_203 : memref<!tpu.dma_semaphore, #tpu.memory_space<semaphore_mem>>) src(%dma_wait3A_211 : memref<632x128xf32, #tpu.memory_space<hbm>>) dst(%dma_wait3A_209 : memref<632x128xf32, #tpu.memory_space<vmem_shared>>)
      tpu.yield
    }) : () -> ()
    %barrier3A = arith.constant 0 : index
    tpu.barrier barrier_id(%barrier3A)
    %run_scoped3A = arith.constant 0 : i32
    "tpu.region"() ({
      %run_scoped3A_203 = tpu.sem_alloc : memref<!tpu.dma_semaphore, #tpu.memory_space<semaphore_mem>>
      %dma_start3A_204 = arith.constant 0 : i32
      %dma_start3A_205 = arith.constant 0 : i32
      %dma_start3A_206 = tpu.memref_slice %arg3[%run_scoped3A, %arg0, %arg1, %dma_start3A_204, %dma_start3A_205] : memref<3x2x16x88x128xi32, #tpu.memory_space<hbm>> -> memref<1x1x1x48x128xi32, #tpu.memory_space<hbm>>
      %dma_start3A_207 = tpu.memref_squeeze %dma_start3A_206 : memref<1x1x1x48x128xi32, #tpu.memory_space<hbm>> -> memref<48x128xi32, #tpu.memory_space<hbm>>
      %dma_start3A_208 = arith.constant 0 : i32
      %dma_start3A_209 = arith.constant 0 : i32
      %dma_start3A_210 = tpu.memref_slice %arg3[%run_scoped3A, %arg0, %arg1, %dma_start3A_208, %dma_start3A_209] : memref<3x2x16x88x128xi32, #tpu.memory_space<hbm>> -> memref<1x1x1x48x128xi32, #tpu.memory_space<hbm>>
      %dma_start3A_211 = tpu.memref_squeeze %dma_start3A_210 : memref<1x1x1x48x128xi32, #tpu.memory_space<hbm>> -> memref<48x128xi32, #tpu.memory_space<hbm>>
      tpu.enqueue_dma source(%dma_start3A_211 : memref<48x128xi32, #tpu.memory_space<hbm>>) target(%arg7 : memref<48x128xi32, #tpu.memory_space<vmem>>) target_semaphore(%run_scoped3A_203 : memref<!tpu.dma_semaphore, #tpu.memory_space<semaphore_mem>>)
      %dma_wait3A_212 = arith.constant 0 : i32
      %dma_wait3A_213 = arith.constant 0 : i32
      %dma_wait3A_214 = tpu.memref_slice %arg3[%run_scoped3A, %arg0, %arg1, %dma_wait3A_212, %dma_wait3A_213] : memref<3x2x16x88x128xi32, #tpu.memory_space<hbm>> -> memref<1x1x1x48x128xi32, #tpu.memory_space<hbm>>
      %dma_wait3A_215 = tpu.memref_squeeze %dma_wait3A_214 : memref<1x1x1x48x128xi32, #tpu.memory_space<hbm>> -> memref<48x128xi32, #tpu.memory_space<hbm>>
      %dma_wait3A_216 = arith.constant 0 : i32
      %dma_wait3A_217 = arith.constant 0 : i32
      %dma_wait3A_218 = tpu.memref_slice %arg3[%run_scoped3A, %arg0, %arg1, %dma_wait3A_216, %dma_wait3A_217] : memref<3x2x16x88x128xi32, #tpu.memory_space<hbm>> -> memref<1x1x1x48x128xi32, #tpu.memory_space<hbm>>
      %dma_wait3A_219 = tpu.memref_squeeze %dma_wait3A_218 : memref<1x1x1x48x128xi32, #tpu.memory_space<hbm>> -> memref<48x128xi32, #tpu.memory_space<hbm>>
      tpu.wait_dma2 semaphore(%run_scoped3A_203 : memref<!tpu.dma_semaphore, #tpu.memory_space<semaphore_mem>>) src(%dma_wait3A_219 : memref<48x128xi32, #tpu.memory_space<hbm>>) dst(%arg7 : memref<48x128xi32, #tpu.memory_space<vmem>>)
      tpu.yield
    }) : () -> ()
    %run_scoped3A_1 = arith.constant 0 : i32
    "tpu.region"() ({
      %run_scoped3A_203 = tpu.sem_alloc : memref<!tpu.dma_semaphore, #tpu.memory_space<semaphore_mem>>
      %dma_start3A_204 = arith.constant 0 : i32
      %dma_start3A_205 = arith.constant 0 : i32
      %dma_start3A_206 = tpu.memref_slice %arg4[%run_scoped3A_1, %arg0, %arg1, %dma_start3A_204, %dma_start3A_205] : memref<3x2x16x88x128xi32, #tpu.memory_space<hbm>> -> memref<1x1x1x48x128xi32, #tpu.memory_space<hbm>>
      %dma_start3A_207 = tpu.memref_squeeze %dma_start3A_206 : memref<1x1x1x48x128xi32, #tpu.memory_space<hbm>> -> memref<48x128xi32, #tpu.memory_space<hbm>>
      %dma_start3A_208 = arith.constant 0 : i32
      %dma_start3A_209 = arith.constant 0 : i32
      %dma_start3A_210 = tpu.memref_slice %arg4[%run_scoped3A_1, %arg0, %arg1, %dma_start3A_208, %dma_start3A_209] : memref<3x2x16x88x128xi32, #tpu.memory_space<hbm>> -> memref<1x1x1x48x128xi32, #tpu.memory_space<hbm>>
      %dma_start3A_211 = tpu.memref_squeeze %dma_start3A_210 : memref<1x1x1x48x128xi32, #tpu.memory_space<hbm>> -> memref<48x128xi32, #tpu.memory_space<hbm>>
      tpu.enqueue_dma source(%dma_start3A_211 : memref<48x128xi32, #tpu.memory_space<hbm>>) target(%arg8 : memref<48x128xi32, #tpu.memory_space<vmem>>) target_semaphore(%run_scoped3A_203 : memref<!tpu.dma_semaphore, #tpu.memory_space<semaphore_mem>>)
      %dma_wait3A_212 = arith.constant 0 : i32
      %dma_wait3A_213 = arith.constant 0 : i32
      %dma_wait3A_214 = tpu.memref_slice %arg4[%run_scoped3A_1, %arg0, %arg1, %dma_wait3A_212, %dma_wait3A_213] : memref<3x2x16x88x128xi32, #tpu.memory_space<hbm>> -> memref<1x1x1x48x128xi32, #tpu.memory_space<hbm>>
      %dma_wait3A_215 = tpu.memref_squeeze %dma_wait3A_214 : memref<1x1x1x48x128xi32, #tpu.memory_space<hbm>> -> memref<48x128xi32, #tpu.memory_space<hbm>>
      %dma_wait3A_216 = arith.constant 0 : i32
      %dma_wait3A_217 = arith.constant 0 : i32
      %dma_wait3A_218 = tpu.memref_slice %arg4[%run_scoped3A_1, %arg0, %arg1, %dma_wait3A_216, %dma_wait3A_217] : memref<3x2x16x88x128xi32, #tpu.memory_space<hbm>> -> memref<1x1x1x48x128xi32, #tpu.memory_space<hbm>>
      %dma_wait3A_219 = tpu.memref_squeeze %dma_wait3A_218 : memref<1x1x1x48x128xi32, #tpu.memory_space<hbm>> -> memref<48x128xi32, #tpu.memory_space<hbm>>
      tpu.wait_dma2 semaphore(%run_scoped3A_203 : memref<!tpu.dma_semaphore, #tpu.memory_space<semaphore_mem>>) src(%dma_wait3A_219 : memref<48x128xi32, #tpu.memory_space<hbm>>) dst(%arg8 : memref<48x128xi32, #tpu.memory_space<vmem>>)
      tpu.yield
    }) : () -> ()
    %dma_start3A = arith.constant 0 : i32
    %dma_start3A_2 = arith.constant 0 : i32
    %dma_start3A_3 = tpu.memref_slice %arg7[%dma_start3A, %dma_start3A_2] : memref<48x128xi32, #tpu.memory_space<vmem>> -> memref<1x128xi32, #tpu.memory_space<vmem>>
    %dma_start3A_4 = tpu.memref_squeeze %dma_start3A_3 : memref<1x128xi32, #tpu.memory_space<vmem>> -> memref<128xi32, #tpu.memory_space<vmem>>
    %dma_start3A_5 = arith.constant 0 : i32
    %dma_start3A_6 = arith.constant 0 : i32
    %dma_start3A_7 = tpu.memref_slice %arg2[%dma_start3A_5, %dma_start3A_6] : memref<10000x128xf32, #tpu.memory_space<hbm>> -> memref<10000x128xf32, #tpu.memory_space<hbm>>
    tpu.enqueue_indirect_dma source(%dma_start3A_7 : memref<10000x128xf32, #tpu.memory_space<hbm>>) target(%arg9 : memref<128x128xf32, #tpu.memory_space<vmem>>) offsets(%dma_start3A_4 : memref<128xi32, #tpu.memory_space<vmem>>) semaphore(%arg12 : memref<!tpu.dma_semaphore, #tpu.memory_space<semaphore_mem>>)
    %dma_start3A_8 = arith.constant 1 : i32
    %dma_start3A_9 = arith.constant 0 : i32
    %dma_start3A_10 = tpu.memref_slice %arg7[%dma_start3A_8, %dma_start3A_9] : memref<48x128xi32, #tpu.memory_space<vmem>> -> memref<1x128xi32, #tpu.memory_space<vmem>>
    %dma_start3A_11 = tpu.memref_squeeze %dma_start3A_10 : memref<1x128xi32, #tpu.memory_space<vmem>> -> memref<128xi32, #tpu.memory_space<vmem>>
    %dma_start3A_12 = arith.constant 0 : i32
    %dma_start3A_13 = arith.constant 0 : i32
    %dma_start3A_14 = tpu.memref_slice %arg2[%dma_start3A_12, %dma_start3A_13] : memref<10000x128xf32, #tpu.memory_space<hbm>> -> memref<10000x128xf32, #tpu.memory_space<hbm>>
    tpu.enqueue_indirect_dma source(%dma_start3A_14 : memref<10000x128xf32, #tpu.memory_space<hbm>>) target(%arg10 : memref<128x128xf32, #tpu.memory_space<vmem>>) offsets(%dma_start3A_11 : memref<128xi32, #tpu.memory_space<vmem>>) semaphore(%arg13 : memref<!tpu.dma_semaphore, #tpu.memory_space<semaphore_mem>>)
    %scan3A = arith.constant 0 : i32
    %scan3A_15 = arith.constant 20 : i32
    %scan3A_16 = arith.addi %scan3A, %scan3A_15 : i32
    %scan3A_17 = arith.constant 1 : i32
    scf.for %scan3A_203 = %scan3A to %scan3A_16 step %scan3A_17  : i32 {
      %mul3A_204 = arith.constant 1 : i32
      %mul3A_205 = arith.muli %scan3A_203, %mul3A_204 : i32
      %add3A = arith.constant 0 : i32
      %add3A_206 = arith.addi %add3A, %mul3A_205 : i32
      %mul3A_207 = arith.constant 2 : i32
      %mul3A_208 = arith.muli %add3A_206, %mul3A_207 : i32
      %dma_wait3A_209 = arith.constant 0 : i32
      %dma_wait3A_210 = arith.constant 0 : i32
      %dma_wait3A_211 = tpu.memref_slice %arg5[%dma_wait3A_209, %dma_wait3A_210] : memref<10112x128xf32, #tpu.memory_space<hbm>> -> memref<128x128xf32, #tpu.memory_space<hbm>>
      %dma_wait3A_212 = arith.constant 0 : i32
      %dma_wait3A_213 = arith.constant 0 : i32
      %dma_wait3A_214 = tpu.memref_slice %arg5[%dma_wait3A_212, %dma_wait3A_213] : memref<10112x128xf32, #tpu.memory_space<hbm>> -> memref<128x128xf32, #tpu.memory_space<hbm>>
      tpu.wait_dma2 semaphore(%arg12 : memref<!tpu.dma_semaphore, #tpu.memory_space<semaphore_mem>>) src(%dma_wait3A_214 : memref<128x128xf32, #tpu.memory_space<hbm>>) dst(%arg9 : memref<128x128xf32, #tpu.memory_space<vmem>>)
      %add3A_215 = arith.constant 0 : i32
      %add3A_216 = arith.addi %mul3A_208, %add3A_215 : i32
      "tpu.region"() ({
        %run_scoped3A_245 = tpu.sem_alloc : memref<!tpu.dma_semaphore, #tpu.memory_space<semaphore_mem>>
        %dma_start3A_246 = arith.constant 0 : i32
        %dma_start3A_247 = tpu.memref_slice %arg8[%add3A_216, %dma_start3A_246] : memref<48x128xi32, #tpu.memory_space<vmem>> -> memref<1x128xi32, #tpu.memory_space<vmem>>
        %dma_start3A_248 = tpu.memref_squeeze %dma_start3A_247 : memref<1x128xi32, #tpu.memory_space<vmem>> -> memref<128xi32, #tpu.memory_space<vmem>>
        %dma_start3A_249 = arith.constant 0 : i32
        %dma_start3A_250 = arith.constant 0 : i32
        %dma_start3A_251 = tpu.memref_slice %arg11[%dma_start3A_249, %dma_start3A_250] : memref<10112x128xf32, #tpu.memory_space<vmem_shared>> -> memref<10112x128xf32, #tpu.memory_space<vmem_shared>>
        tpu.enqueue_indirect_dma source(%arg9 : memref<128x128xf32, #tpu.memory_space<vmem>>) target(%dma_start3A_251 : memref<10112x128xf32, #tpu.memory_space<vmem_shared>>) offsets(%dma_start3A_248 : memref<128xi32, #tpu.memory_space<vmem>>) semaphore(%run_scoped3A_245 : memref<!tpu.dma_semaphore, #tpu.memory_space<semaphore_mem>>) {add = true}
        %dma_wait3A_252 = arith.constant 0 : i32
        %dma_wait3A_253 = tpu.memref_slice %arg8[%add3A_216, %dma_wait3A_252] : memref<48x128xi32, #tpu.memory_space<vmem>> -> memref<1x128xi32, #tpu.memory_space<vmem>>
        %dma_wait3A_254 = tpu.memref_squeeze %dma_wait3A_253 : memref<1x128xi32, #tpu.memory_space<vmem>> -> memref<128xi32, #tpu.memory_space<vmem>>
        %dma_wait3A_255 = arith.constant 0 : i32
        %dma_wait3A_256 = arith.constant 0 : i32
        %dma_wait3A_257 = tpu.memref_slice %arg11[%dma_wait3A_255, %dma_wait3A_256] : memref<10112x128xf32, #tpu.memory_space<vmem_shared>> -> memref<10112x128xf32, #tpu.memory_space<vmem_shared>>
        tpu.wait_indirect_dma semaphore(%run_scoped3A_245 : memref<!tpu.dma_semaphore, #tpu.memory_space<semaphore_mem>>) src(%arg9 : memref<128x128xf32, #tpu.memory_space<vmem>>) dst(%dma_wait3A_257 : memref<10112x128xf32, #tpu.memory_space<vmem_shared>>)
        tpu.yield
      }) : () -> ()
      %add3A_217 = arith.constant 2 : i32
      %add3A_218 = arith.addi %mul3A_208, %add3A_217 : i32
      %add3A_219 = arith.constant 0 : i32
      %add3A_220 = arith.addi %add3A_218, %add3A_219 : i32
      %dma_start3A_221 = arith.constant 0 : i32
      %dma_start3A_222 = tpu.memref_slice %arg7[%add3A_220, %dma_start3A_221] : memref<48x128xi32, #tpu.memory_space<vmem>> -> memref<1x128xi32, #tpu.memory_space<vmem>>
      %dma_start3A_223 = tpu.memref_squeeze %dma_start3A_222 : memref<1x128xi32, #tpu.memory_space<vmem>> -> memref<128xi32, #tpu.memory_space<vmem>>
      %dma_start3A_224 = arith.constant 0 : i32
      %dma_start3A_225 = arith.constant 0 : i32
      %dma_start3A_226 = tpu.memref_slice %arg2[%dma_start3A_224, %dma_start3A_225] : memref<10000x128xf32, #tpu.memory_space<hbm>> -> memref<10000x128xf32, #tpu.memory_space<hbm>>
      tpu.enqueue_indirect_dma source(%dma_start3A_226 : memref<10000x128xf32, #tpu.memory_space<hbm>>) target(%arg9 : memref<128x128xf32, #tpu.memory_space<vmem>>) offsets(%dma_start3A_223 : memref<128xi32, #tpu.memory_space<vmem>>) semaphore(%arg12 : memref<!tpu.dma_semaphore, #tpu.memory_space<semaphore_mem>>)
      %dma_wait3A_227 = arith.constant 0 : i32
      %dma_wait3A_228 = arith.constant 0 : i32
      %dma_wait3A_229 = tpu.memref_slice %arg5[%dma_wait3A_227, %dma_wait3A_228] : memref<10112x128xf32, #tpu.memory_space<hbm>> -> memref<128x128xf32, #tpu.memory_space<hbm>>
      %dma_wait3A_230 = arith.constant 0 : i32
      %dma_wait3A_231 = arith.constant 0 : i32
      %dma_wait3A_232 = tpu.memref_slice %arg5[%dma_wait3A_230, %dma_wait3A_231] : memref<10112x128xf32, #tpu.memory_space<hbm>> -> memref<128x128xf32, #tpu.memory_space<hbm>>
      tpu.wait_dma2 semaphore(%arg13 : memref<!tpu.dma_semaphore, #tpu.memory_space<semaphore_mem>>) src(%dma_wait3A_232 : memref<128x128xf32, #tpu.memory_space<hbm>>) dst(%arg10 : memref<128x128xf32, #tpu.memory_space<vmem>>)
      %add3A_233 = arith.constant 1 : i32
      %add3A_234 = arith.addi %mul3A_208, %add3A_233 : i32
      "tpu.region"() ({
        %run_scoped3A_245 = tpu.sem_alloc : memref<!tpu.dma_semaphore, #tpu.memory_space<semaphore_mem>>
        %dma_start3A_246 = arith.constant 0 : i32
        %dma_start3A_247 = tpu.memref_slice %arg8[%add3A_234, %dma_start3A_246] : memref<48x128xi32, #tpu.memory_space<vmem>> -> memref<1x128xi32, #tpu.memory_space<vmem>>
        %dma_start3A_248 = tpu.memref_squeeze %dma_start3A_247 : memref<1x128xi32, #tpu.memory_space<vmem>> -> memref<128xi32, #tpu.memory_space<vmem>>
        %dma_start3A_249 = arith.constant 0 : i32
        %dma_start3A_250 = arith.constant 0 : i32
        %dma_start3A_251 = tpu.memref_slice %arg11[%dma_start3A_249, %dma_start3A_250] : memref<10112x128xf32, #tpu.memory_space<vmem_shared>> -> memref<10112x128xf32, #tpu.memory_space<vmem_shared>>
        tpu.enqueue_indirect_dma source(%arg10 : memref<128x128xf32, #tpu.memory_space<vmem>>) target(%dma_start3A_251 : memref<10112x128xf32, #tpu.memory_space<vmem_shared>>) offsets(%dma_start3A_248 : memref<128xi32, #tpu.memory_space<vmem>>) semaphore(%run_scoped3A_245 : memref<!tpu.dma_semaphore, #tpu.memory_space<semaphore_mem>>) {add = true}
        %dma_wait3A_252 = arith.constant 0 : i32
        %dma_wait3A_253 = tpu.memref_slice %arg8[%add3A_234, %dma_wait3A_252] : memref<48x128xi32, #tpu.memory_space<vmem>> -> memref<1x128xi32, #tpu.memory_space<vmem>>
        %dma_wait3A_254 = tpu.memref_squeeze %dma_wait3A_253 : memref<1x128xi32, #tpu.memory_space<vmem>> -> memref<128xi32, #tpu.memory_space<vmem>>
        %dma_wait3A_255 = arith.constant 0 : i32
        %dma_wait3A_256 = arith.constant 0 : i32
        %dma_wait3A_257 = tpu.memref_slice %arg11[%dma_wait3A_255, %dma_wait3A_256] : memref<10112x128xf32, #tpu.memory_space<vmem_shared>> -> memref<10112x128xf32, #tpu.memory_space<vmem_shared>>
        tpu.wait_indirect_dma semaphore(%run_scoped3A_245 : memref<!tpu.dma_semaphore, #tpu.memory_space<semaphore_mem>>) src(%arg10 : memref<128x128xf32, #tpu.memory_space<vmem>>) dst(%dma_wait3A_257 : memref<10112x128xf32, #tpu.memory_space<vmem_shared>>)
        tpu.yield
      }) : () -> ()
      %add3A_235 = arith.constant 2 : i32
      %add3A_236 = arith.addi %mul3A_208, %add3A_235 : i32
      %add3A_237 = arith.constant 1 : i32
      %add3A_238 = arith.addi %add3A_236, %add3A_237 : i32
      %dma_start3A_239 = arith.constant 0 : i32
      %dma_start3A_240 = tpu.memref_slice %arg7[%add3A_238, %dma_start3A_239] : memref<48x128xi32, #tpu.memory_space<vmem>> -> memref<1x128xi32, #tpu.memory_space<vmem>>
      %dma_start3A_241 = tpu.memref_squeeze %dma_start3A_240 : memref<1x128xi32, #tpu.memory_space<vmem>> -> memref<128xi32, #tpu.memory_space<vmem>>
      %dma_start3A_242 = arith.constant 0 : i32
      %dma_start3A_243 = arith.constant 0 : i32
      %dma_start3A_244 = tpu.memref_slice %arg2[%dma_start3A_242, %dma_start3A_243] : memref<10000x128xf32, #tpu.memory_space<hbm>> -> memref<10000x128xf32, #tpu.memory_space<hbm>>
      tpu.enqueue_indirect_dma source(%dma_start3A_244 : memref<10000x128xf32, #tpu.memory_space<hbm>>) target(%arg10 : memref<128x128xf32, #tpu.memory_space<vmem>>) offsets(%dma_start3A_241 : memref<128xi32, #tpu.memory_space<vmem>>) semaphore(%arg13 : memref<!tpu.dma_semaphore, #tpu.memory_space<semaphore_mem>>)
    }
    %scan3A_18 = arith.constant 20 : i32
    %dma_wait3A = arith.constant 0 : i32
    %dma_wait3A_19 = arith.constant 0 : i32
    %dma_wait3A_20 = tpu.memref_slice %arg5[%dma_wait3A, %dma_wait3A_19] : memref<10112x128xf32, #tpu.memory_space<hbm>> -> memref<128x128xf32, #tpu.memory_space<hbm>>
    %dma_wait3A_21 = arith.constant 0 : i32
    %dma_wait3A_22 = arith.constant 0 : i32
    %dma_wait3A_23 = tpu.memref_slice %arg5[%dma_wait3A_21, %dma_wait3A_22] : memref<10112x128xf32, #tpu.memory_space<hbm>> -> memref<128x128xf32, #tpu.memory_space<hbm>>
    tpu.wait_dma2 semaphore(%arg12 : memref<!tpu.dma_semaphore, #tpu.memory_space<semaphore_mem>>) src(%dma_wait3A_23 : memref<128x128xf32, #tpu.memory_space<hbm>>) dst(%arg9 : memref<128x128xf32, #tpu.memory_space<vmem>>)
    %dma_wait3A_24 = arith.constant 0 : i32
    %dma_wait3A_25 = arith.constant 0 : i32
    %dma_wait3A_26 = tpu.memref_slice %arg5[%dma_wait3A_24, %dma_wait3A_25] : memref<10112x128xf32, #tpu.memory_space<hbm>> -> memref<128x128xf32, #tpu.memory_space<hbm>>
    %dma_wait3A_27 = arith.constant 0 : i32
    %dma_wait3A_28 = arith.constant 0 : i32
    %dma_wait3A_29 = tpu.memref_slice %arg5[%dma_wait3A_27, %dma_wait3A_28] : memref<10112x128xf32, #tpu.memory_space<hbm>> -> memref<128x128xf32, #tpu.memory_space<hbm>>
    tpu.wait_dma2 semaphore(%arg13 : memref<!tpu.dma_semaphore, #tpu.memory_space<semaphore_mem>>) src(%dma_wait3A_29 : memref<128x128xf32, #tpu.memory_space<hbm>>) dst(%arg10 : memref<128x128xf32, #tpu.memory_space<vmem>>)
    %run_scoped3A_30 = arith.constant 0 : i32
    "tpu.region"() ({
      %run_scoped3A_203 = tpu.sem_alloc : memref<!tpu.dma_semaphore, #tpu.memory_space<semaphore_mem>>
      %dma_start3A_204 = arith.constant 40 : i32
      %dma_start3A_205 = arith.constant 0 : i32
      %dma_start3A_206 = tpu.memref_slice %arg3[%run_scoped3A_30, %arg0, %arg1, %dma_start3A_204, %dma_start3A_205] : memref<3x2x16x88x128xi32, #tpu.memory_space<hbm>> -> memref<1x1x1x48x128xi32, #tpu.memory_space<hbm>>
      %dma_start3A_207 = tpu.memref_squeeze %dma_start3A_206 : memref<1x1x1x48x128xi32, #tpu.memory_space<hbm>> -> memref<48x128xi32, #tpu.memory_space<hbm>>
      %dma_start3A_208 = arith.constant 40 : i32
      %dma_start3A_209 = arith.constant 0 : i32
      %dma_start3A_210 = tpu.memref_slice %arg3[%run_scoped3A_30, %arg0, %arg1, %dma_start3A_208, %dma_start3A_209] : memref<3x2x16x88x128xi32, #tpu.memory_space<hbm>> -> memref<1x1x1x48x128xi32, #tpu.memory_space<hbm>>
      %dma_start3A_211 = tpu.memref_squeeze %dma_start3A_210 : memref<1x1x1x48x128xi32, #tpu.memory_space<hbm>> -> memref<48x128xi32, #tpu.memory_space<hbm>>
      tpu.enqueue_dma source(%dma_start3A_211 : memref<48x128xi32, #tpu.memory_space<hbm>>) target(%arg7 : memref<48x128xi32, #tpu.memory_space<vmem>>) target_semaphore(%run_scoped3A_203 : memref<!tpu.dma_semaphore, #tpu.memory_space<semaphore_mem>>)
      %dma_wait3A_212 = arith.constant 40 : i32
      %dma_wait3A_213 = arith.constant 0 : i32
      %dma_wait3A_214 = tpu.memref_slice %arg3[%run_scoped3A_30, %arg0, %arg1, %dma_wait3A_212, %dma_wait3A_213] : memref<3x2x16x88x128xi32, #tpu.memory_space<hbm>> -> memref<1x1x1x48x128xi32, #tpu.memory_space<hbm>>
      %dma_wait3A_215 = tpu.memref_squeeze %dma_wait3A_214 : memref<1x1x1x48x128xi32, #tpu.memory_space<hbm>> -> memref<48x128xi32, #tpu.memory_space<hbm>>
      %dma_wait3A_216 = arith.constant 40 : i32
      %dma_wait3A_217 = arith.constant 0 : i32
      %dma_wait3A_218 = tpu.memref_slice %arg3[%run_scoped3A_30, %arg0, %arg1, %dma_wait3A_216, %dma_wait3A_217] : memref<3x2x16x88x128xi32, #tpu.memory_space<hbm>> -> memref<1x1x1x48x128xi32, #tpu.memory_space<hbm>>
      %dma_wait3A_219 = tpu.memref_squeeze %dma_wait3A_218 : memref<1x1x1x48x128xi32, #tpu.memory_space<hbm>> -> memref<48x128xi32, #tpu.memory_space<hbm>>
      tpu.wait_dma2 semaphore(%run_scoped3A_203 : memref<!tpu.dma_semaphore, #tpu.memory_space<semaphore_mem>>) src(%dma_wait3A_219 : memref<48x128xi32, #tpu.memory_space<hbm>>) dst(%arg7 : memref<48x128xi32, #tpu.memory_space<vmem>>)
      tpu.yield
    }) : () -> ()
    %run_scoped3A_31 = arith.constant 0 : i32
    "tpu.region"() ({
      %run_scoped3A_203 = tpu.sem_alloc : memref<!tpu.dma_semaphore, #tpu.memory_space<semaphore_mem>>
      %dma_start3A_204 = arith.constant 40 : i32
      %dma_start3A_205 = arith.constant 0 : i32
      %dma_start3A_206 = tpu.memref_slice %arg4[%run_scoped3A_31, %arg0, %arg1, %dma_start3A_204, %dma_start3A_205] : memref<3x2x16x88x128xi32, #tpu.memory_space<hbm>> -> memref<1x1x1x48x128xi32, #tpu.memory_space<hbm>>
      %dma_start3A_207 = tpu.memref_squeeze %dma_start3A_206 : memref<1x1x1x48x128xi32, #tpu.memory_space<hbm>> -> memref<48x128xi32, #tpu.memory_space<hbm>>
      %dma_start3A_208 = arith.constant 40 : i32
      %dma_start3A_209 = arith.constant 0 : i32
      %dma_start3A_210 = tpu.memref_slice %arg4[%run_scoped3A_31, %arg0, %arg1, %dma_start3A_208, %dma_start3A_209] : memref<3x2x16x88x128xi32, #tpu.memory_space<hbm>> -> memref<1x1x1x48x128xi32, #tpu.memory_space<hbm>>
      %dma_start3A_211 = tpu.memref_squeeze %dma_start3A_210 : memref<1x1x1x48x128xi32, #tpu.memory_space<hbm>> -> memref<48x128xi32, #tpu.memory_space<hbm>>
      tpu.enqueue_dma source(%dma_start3A_211 : memref<48x128xi32, #tpu.memory_space<hbm>>) target(%arg8 : memref<48x128xi32, #tpu.memory_space<vmem>>) target_semaphore(%run_scoped3A_203 : memref<!tpu.dma_semaphore, #tpu.memory_space<semaphore_mem>>)
      %dma_wait3A_212 = arith.constant 40 : i32
      %dma_wait3A_213 = arith.constant 0 : i32
      %dma_wait3A_214 = tpu.memref_slice %arg4[%run_scoped3A_31, %arg0, %arg1, %dma_wait3A_212, %dma_wait3A_213] : memref<3x2x16x88x128xi32, #tpu.memory_space<hbm>> -> memref<1x1x1x48x128xi32, #tpu.memory_space<hbm>>
      %dma_wait3A_215 = tpu.memref_squeeze %dma_wait3A_214 : memref<1x1x1x48x128xi32, #tpu.memory_space<hbm>> -> memref<48x128xi32, #tpu.memory_space<hbm>>
      %dma_wait3A_216 = arith.constant 40 : i32
      %dma_wait3A_217 = arith.constant 0 : i32
      %dma_wait3A_218 = tpu.memref_slice %arg4[%run_scoped3A_31, %arg0, %arg1, %dma_wait3A_216, %dma_wait3A_217] : memref<3x2x16x88x128xi32, #tpu.memory_space<hbm>> -> memref<1x1x1x48x128xi32, #tpu.memory_space<hbm>>
      %dma_wait3A_219 = tpu.memref_squeeze %dma_wait3A_218 : memref<1x1x1x48x128xi32, #tpu.memory_space<hbm>> -> memref<48x128xi32, #tpu.memory_space<hbm>>
      tpu.wait_dma2 semaphore(%run_scoped3A_203 : memref<!tpu.dma_semaphore, #tpu.memory_space<semaphore_mem>>) src(%dma_wait3A_219 : memref<48x128xi32, #tpu.memory_space<hbm>>) dst(%arg8 : memref<48x128xi32, #tpu.memory_space<vmem>>)
      tpu.yield
    }) : () -> ()
    %dma_start3A_32 = arith.constant 0 : i32
    %dma_start3A_33 = arith.constant 0 : i32
    %dma_start3A_34 = tpu.memref_slice %arg7[%dma_start3A_32, %dma_start3A_33] : memref<48x128xi32, #tpu.memory_space<vmem>> -> memref<1x128xi32, #tpu.memory_space<vmem>>
    %dma_start3A_35 = tpu.memref_squeeze %dma_start3A_34 : memref<1x128xi32, #tpu.memory_space<vmem>> -> memref<128xi32, #tpu.memory_space<vmem>>
    %dma_start3A_36 = arith.constant 0 : i32
    %dma_start3A_37 = arith.constant 0 : i32
    %dma_start3A_38 = tpu.memref_slice %arg2[%dma_start3A_36, %dma_start3A_37] : memref<10000x128xf32, #tpu.memory_space<hbm>> -> memref<10000x128xf32, #tpu.memory_space<hbm>>
    tpu.enqueue_indirect_dma source(%dma_start3A_38 : memref<10000x128xf32, #tpu.memory_space<hbm>>) target(%arg9 : memref<128x128xf32, #tpu.memory_space<vmem>>) offsets(%dma_start3A_35 : memref<128xi32, #tpu.memory_space<vmem>>) semaphore(%arg12 : memref<!tpu.dma_semaphore, #tpu.memory_space<semaphore_mem>>)
    %dma_start3A_39 = arith.constant 1 : i32
    %dma_start3A_40 = arith.constant 0 : i32
    %dma_start3A_41 = tpu.memref_slice %arg7[%dma_start3A_39, %dma_start3A_40] : memref<48x128xi32, #tpu.memory_space<vmem>> -> memref<1x128xi32, #tpu.memory_space<vmem>>
    %dma_start3A_42 = tpu.memref_squeeze %dma_start3A_41 : memref<1x128xi32, #tpu.memory_space<vmem>> -> memref<128xi32, #tpu.memory_space<vmem>>
    %dma_start3A_43 = arith.constant 0 : i32
    %dma_start3A_44 = arith.constant 0 : i32
    %dma_start3A_45 = tpu.memref_slice %arg2[%dma_start3A_43, %dma_start3A_44] : memref<10000x128xf32, #tpu.memory_space<hbm>> -> memref<10000x128xf32, #tpu.memory_space<hbm>>
    tpu.enqueue_indirect_dma source(%dma_start3A_45 : memref<10000x128xf32, #tpu.memory_space<hbm>>) target(%arg10 : memref<128x128xf32, #tpu.memory_space<vmem>>) offsets(%dma_start3A_42 : memref<128xi32, #tpu.memory_space<vmem>>) semaphore(%arg13 : memref<!tpu.dma_semaphore, #tpu.memory_space<semaphore_mem>>)
    %scan3A_46 = arith.constant 0 : i32
    %scan3A_47 = arith.constant 20 : i32
    %scan3A_48 = arith.addi %scan3A_46, %scan3A_47 : i32
    %scan3A_49 = arith.constant 1 : i32
    scf.for %scan3A_203 = %scan3A_46 to %scan3A_48 step %scan3A_49  : i32 {
      %mul3A_204 = arith.constant 1 : i32
      %mul3A_205 = arith.muli %scan3A_203, %mul3A_204 : i32
      %add3A = arith.constant 0 : i32
      %add3A_206 = arith.addi %add3A, %mul3A_205 : i32
      %mul3A_207 = arith.constant 2 : i32
      %mul3A_208 = arith.muli %add3A_206, %mul3A_207 : i32
      %dma_wait3A_209 = arith.constant 0 : i32
      %dma_wait3A_210 = arith.constant 0 : i32
      %dma_wait3A_211 = tpu.memref_slice %arg5[%dma_wait3A_209, %dma_wait3A_210] : memref<10112x128xf32, #tpu.memory_space<hbm>> -> memref<128x128xf32, #tpu.memory_space<hbm>>
      %dma_wait3A_212 = arith.constant 0 : i32
      %dma_wait3A_213 = arith.constant 0 : i32
      %dma_wait3A_214 = tpu.memref_slice %arg5[%dma_wait3A_212, %dma_wait3A_213] : memref<10112x128xf32, #tpu.memory_space<hbm>> -> memref<128x128xf32, #tpu.memory_space<hbm>>
      tpu.wait_dma2 semaphore(%arg12 : memref<!tpu.dma_semaphore, #tpu.memory_space<semaphore_mem>>) src(%dma_wait3A_214 : memref<128x128xf32, #tpu.memory_space<hbm>>) dst(%arg9 : memref<128x128xf32, #tpu.memory_space<vmem>>)
      %add3A_215 = arith.constant 0 : i32
      %add3A_216 = arith.addi %mul3A_208, %add3A_215 : i32
      "tpu.region"() ({
        %run_scoped3A_245 = tpu.sem_alloc : memref<!tpu.dma_semaphore, #tpu.memory_space<semaphore_mem>>
        %dma_start3A_246 = arith.constant 0 : i32
        %dma_start3A_247 = tpu.memref_slice %arg8[%add3A_216, %dma_start3A_246] : memref<48x128xi32, #tpu.memory_space<vmem>> -> memref<1x128xi32, #tpu.memory_space<vmem>>
        %dma_start3A_248 = tpu.memref_squeeze %dma_start3A_247 : memref<1x128xi32, #tpu.memory_space<vmem>> -> memref<128xi32, #tpu.memory_space<vmem>>
        %dma_start3A_249 = arith.constant 0 : i32
        %dma_start3A_250 = arith.constant 0 : i32
        %dma_start3A_251 = tpu.memref_slice %arg11[%dma_start3A_249, %dma_start3A_250] : memref<10112x128xf32, #tpu.memory_space<vmem_shared>> -> memref<10112x128xf32, #tpu.memory_space<vmem_shared>>
        tpu.enqueue_indirect_dma source(%arg9 : memref<128x128xf32, #tpu.memory_space<vmem>>) target(%dma_start3A_251 : memref<10112x128xf32, #tpu.memory_space<vmem_shared>>) offsets(%dma_start3A_248 : memref<128xi32, #tpu.memory_space<vmem>>) semaphore(%run_scoped3A_245 : memref<!tpu.dma_semaphore, #tpu.memory_space<semaphore_mem>>) {add = true}
        %dma_wait3A_252 = arith.constant 0 : i32
        %dma_wait3A_253 = tpu.memref_slice %arg8[%add3A_216, %dma_wait3A_252] : memref<48x128xi32, #tpu.memory_space<vmem>> -> memref<1x128xi32, #tpu.memory_space<vmem>>
        %dma_wait3A_254 = tpu.memref_squeeze %dma_wait3A_253 : memref<1x128xi32, #tpu.memory_space<vmem>> -> memref<128xi32, #tpu.memory_space<vmem>>
        %dma_wait3A_255 = arith.constant 0 : i32
        %dma_wait3A_256 = arith.constant 0 : i32
        %dma_wait3A_257 = tpu.memref_slice %arg11[%dma_wait3A_255, %dma_wait3A_256] : memref<10112x128xf32, #tpu.memory_space<vmem_shared>> -> memref<10112x128xf32, #tpu.memory_space<vmem_shared>>
        tpu.wait_indirect_dma semaphore(%run_scoped3A_245 : memref<!tpu.dma_semaphore, #tpu.memory_space<semaphore_mem>>) src(%arg9 : memref<128x128xf32, #tpu.memory_space<vmem>>) dst(%dma_wait3A_257 : memref<10112x128xf32, #tpu.memory_space<vmem_shared>>)
        tpu.yield
      }) : () -> ()
      %add3A_217 = arith.constant 2 : i32
      %add3A_218 = arith.addi %mul3A_208, %add3A_217 : i32
      %add3A_219 = arith.constant 0 : i32
      %add3A_220 = arith.addi %add3A_218, %add3A_219 : i32
      %dma_start3A_221 = arith.constant 0 : i32
      %dma_start3A_222 = tpu.memref_slice %arg7[%add3A_220, %dma_start3A_221] : memref<48x128xi32, #tpu.memory_space<vmem>> -> memref<1x128xi32, #tpu.memory_space<vmem>>
      %dma_start3A_223 = tpu.memref_squeeze %dma_start3A_222 : memref<1x128xi32, #tpu.memory_space<vmem>> -> memref<128xi32, #tpu.memory_space<vmem>>
      %dma_start3A_224 = arith.constant 0 : i32
      %dma_start3A_225 = arith.constant 0 : i32
      %dma_start3A_226 = tpu.memref_slice %arg2[%dma_start3A_224, %dma_start3A_225] : memref<10000x128xf32, #tpu.memory_space<hbm>> -> memref<10000x128xf32, #tpu.memory_space<hbm>>
      tpu.enqueue_indirect_dma source(%dma_start3A_226 : memref<10000x128xf32, #tpu.memory_space<hbm>>) target(%arg9 : memref<128x128xf32, #tpu.memory_space<vmem>>) offsets(%dma_start3A_223 : memref<128xi32, #tpu.memory_space<vmem>>) semaphore(%arg12 : memref<!tpu.dma_semaphore, #tpu.memory_space<semaphore_mem>>)
      %dma_wait3A_227 = arith.constant 0 : i32
      %dma_wait3A_228 = arith.constant 0 : i32
      %dma_wait3A_229 = tpu.memref_slice %arg5[%dma_wait3A_227, %dma_wait3A_228] : memref<10112x128xf32, #tpu.memory_space<hbm>> -> memref<128x128xf32, #tpu.memory_space<hbm>>
      %dma_wait3A_230 = arith.constant 0 : i32
      %dma_wait3A_231 = arith.constant 0 : i32
      %dma_wait3A_232 = tpu.memref_slice %arg5[%dma_wait3A_230, %dma_wait3A_231] : memref<10112x128xf32, #tpu.memory_space<hbm>> -> memref<128x128xf32, #tpu.memory_space<hbm>>
      tpu.wait_dma2 semaphore(%arg13 : memref<!tpu.dma_semaphore, #tpu.memory_space<semaphore_mem>>) src(%dma_wait3A_232 : memref<128x128xf32, #tpu.memory_space<hbm>>) dst(%arg10 : memref<128x128xf32, #tpu.memory_space<vmem>>)
      %add3A_233 = arith.constant 1 : i32
      %add3A_234 = arith.addi %mul3A_208, %add3A_233 : i32
      "tpu.region"() ({
        %run_scoped3A_245 = tpu.sem_alloc : memref<!tpu.dma_semaphore, #tpu.memory_space<semaphore_mem>>
        %dma_start3A_246 = arith.constant 0 : i32
        %dma_start3A_247 = tpu.memref_slice %arg8[%add3A_234, %dma_start3A_246] : memref<48x128xi32, #tpu.memory_space<vmem>> -> memref<1x128xi32, #tpu.memory_space<vmem>>
        %dma_start3A_248 = tpu.memref_squeeze %dma_start3A_247 : memref<1x128xi32, #tpu.memory_space<vmem>> -> memref<128xi32, #tpu.memory_space<vmem>>
        %dma_start3A_249 = arith.constant 0 : i32
        %dma_start3A_250 = arith.constant 0 : i32
        %dma_start3A_251 = tpu.memref_slice %arg11[%dma_start3A_249, %dma_start3A_250] : memref<10112x128xf32, #tpu.memory_space<vmem_shared>> -> memref<10112x128xf32, #tpu.memory_space<vmem_shared>>
        tpu.enqueue_indirect_dma source(%arg10 : memref<128x128xf32, #tpu.memory_space<vmem>>) target(%dma_start3A_251 : memref<10112x128xf32, #tpu.memory_space<vmem_shared>>) offsets(%dma_start3A_248 : memref<128xi32, #tpu.memory_space<vmem>>) semaphore(%run_scoped3A_245 : memref<!tpu.dma_semaphore, #tpu.memory_space<semaphore_mem>>) {add = true}
        %dma_wait3A_252 = arith.constant 0 : i32
        %dma_wait3A_253 = tpu.memref_slice %arg8[%add3A_234, %dma_wait3A_252] : memref<48x128xi32, #tpu.memory_space<vmem>> -> memref<1x128xi32, #tpu.memory_space<vmem>>
        %dma_wait3A_254 = tpu.memref_squeeze %dma_wait3A_253 : memref<1x128xi32, #tpu.memory_space<vmem>> -> memref<128xi32, #tpu.memory_space<vmem>>
        %dma_wait3A_255 = arith.constant 0 : i32
        %dma_wait3A_256 = arith.constant 0 : i32
        %dma_wait3A_257 = tpu.memref_slice %arg11[%dma_wait3A_255, %dma_wait3A_256] : memref<10112x128xf32, #tpu.memory_space<vmem_shared>> -> memref<10112x128xf32, #tpu.memory_space<vmem_shared>>
        tpu.wait_indirect_dma semaphore(%run_scoped3A_245 : memref<!tpu.dma_semaphore, #tpu.memory_space<semaphore_mem>>) src(%arg10 : memref<128x128xf32, #tpu.memory_space<vmem>>) dst(%dma_wait3A_257 : memref<10112x128xf32, #tpu.memory_space<vmem_shared>>)
        tpu.yield
      }) : () -> ()
      %add3A_235 = arith.constant 2 : i32
      %add3A_236 = arith.addi %mul3A_208, %add3A_235 : i32
      %add3A_237 = arith.constant 1 : i32
      %add3A_238 = arith.addi %add3A_236, %add3A_237 : i32
      %dma_start3A_239 = arith.constant 0 : i32
      %dma_start3A_240 = tpu.memref_slice %arg7[%add3A_238, %dma_start3A_239] : memref<48x128xi32, #tpu.memory_space<vmem>> -> memref<1x128xi32, #tpu.memory_space<vmem>>
      %dma_start3A_241 = tpu.memref_squeeze %dma_start3A_240 : memref<1x128xi32, #tpu.memory_space<vmem>> -> memref<128xi32, #tpu.memory_space<vmem>>
      %dma_start3A_242 = arith.constant 0 : i32
      %dma_start3A_243 = arith.constant 0 : i32
      %dma_start3A_244 = tpu.memref_slice %arg2[%dma_start3A_242, %dma_start3A_243] : memref<10000x128xf32, #tpu.memory_space<hbm>> -> memref<10000x128xf32, #tpu.memory_space<hbm>>
      tpu.enqueue_indirect_dma source(%dma_start3A_244 : memref<10000x128xf32, #tpu.memory_space<hbm>>) target(%arg10 : memref<128x128xf32, #tpu.memory_space<vmem>>) offsets(%dma_start3A_241 : memref<128xi32, #tpu.memory_space<vmem>>) semaphore(%arg13 : memref<!tpu.dma_semaphore, #tpu.memory_space<semaphore_mem>>)
    }
    %scan3A_50 = arith.constant 20 : i32
    %dma_wait3A_51 = arith.constant 0 : i32
    %dma_wait3A_52 = arith.constant 0 : i32
    %dma_wait3A_53 = tpu.memref_slice %arg5[%dma_wait3A_51, %dma_wait3A_52] : memref<10112x128xf32, #tpu.memory_space<hbm>> -> memref<128x128xf32, #tpu.memory_space<hbm>>
    %dma_wait3A_54 = arith.constant 0 : i32
    %dma_wait3A_55 = arith.constant 0 : i32
    %dma_wait3A_56 = tpu.memref_slice %arg5[%dma_wait3A_54, %dma_wait3A_55] : memref<10112x128xf32, #tpu.memory_space<hbm>> -> memref<128x128xf32, #tpu.memory_space<hbm>>
    tpu.wait_dma2 semaphore(%arg12 : memref<!tpu.dma_semaphore, #tpu.memory_space<semaphore_mem>>) src(%dma_wait3A_56 : memref<128x128xf32, #tpu.memory_space<hbm>>) dst(%arg9 : memref<128x128xf32, #tpu.memory_space<vmem>>)
    %dma_wait3A_57 = arith.constant 0 : i32
    %dma_wait3A_58 = arith.constant 0 : i32
    %dma_wait3A_59 = tpu.memref_slice %arg5[%dma_wait3A_57, %dma_wait3A_58] : memref<10112x128xf32, #tpu.memory_space<hbm>> -> memref<128x128xf32, #tpu.memory_space<hbm>>
    %dma_wait3A_60 = arith.constant 0 : i32
    %dma_wait3A_61 = arith.constant 0 : i32
    %dma_wait3A_62 = tpu.memref_slice %arg5[%dma_wait3A_60, %dma_wait3A_61] : memref<10112x128xf32, #tpu.memory_space<hbm>> -> memref<128x128xf32, #tpu.memory_space<hbm>>
    tpu.wait_dma2 semaphore(%arg13 : memref<!tpu.dma_semaphore, #tpu.memory_space<semaphore_mem>>) src(%dma_wait3A_62 : memref<128x128xf32, #tpu.memory_space<hbm>>) dst(%arg10 : memref<128x128xf32, #tpu.memory_space<vmem>>)
    %barrier3A_63 = arith.constant 0 : index
    tpu.barrier barrier_id(%barrier3A_63)
    %run_scoped3A_64 = arith.constant 0 : i32
    "tpu.region"() ({
      %run_scoped3A_203 = tpu.sem_alloc : memref<!tpu.dma_semaphore, #tpu.memory_space<semaphore_mem>>
      %dma_start3A_204 = arith.constant 0 : i32
      %dma_start3A_205 = tpu.memref_slice %arg6[%run_scoped3A_64, %arg0, %mul3A_0, %dma_start3A_204] : memref<3x2x10112x128xf32, #tpu.memory_space<hbm>> -> memref<1x1x632x128xf32, #tpu.memory_space<hbm>>
      %dma_start3A_206 = tpu.memref_squeeze %dma_start3A_205 : memref<1x1x632x128xf32, #tpu.memory_space<hbm>> -> memref<632x128xf32, #tpu.memory_space<hbm>>
      %dma_start3A_207 = arith.constant 0 : i32
      %dma_start3A_208 = tpu.memref_slice %arg11[%mul3A_0, %dma_start3A_207] : memref<10112x128xf32, #tpu.memory_space<vmem_shared>> -> memref<632x128xf32, #tpu.memory_space<vmem_shared>>
      tpu.enqueue_dma source(%dma_start3A_208 : memref<632x128xf32, #tpu.memory_space<vmem_shared>>) target(%dma_start3A_206 : memref<632x128xf32, #tpu.memory_space<hbm>>) target_semaphore(%run_scoped3A_203 : memref<!tpu.dma_semaphore, #tpu.memory_space<semaphore_mem>>)
      %dma_wait3A_209 = arith.constant 0 : i32
      %dma_wait3A_210 = tpu.memref_slice %arg6[%run_scoped3A_64, %arg0, %mul3A_0, %dma_wait3A_209] : memref<3x2x10112x128xf32, #tpu.memory_space<hbm>> -> memref<1x1x632x128xf32, #tpu.memory_space<hbm>>
      %dma_wait3A_211 = tpu.memref_squeeze %dma_wait3A_210 : memref<1x1x632x128xf32, #tpu.memory_space<hbm>> -> memref<632x128xf32, #tpu.memory_space<hbm>>
      %dma_wait3A_212 = arith.constant 0 : i32
      %dma_wait3A_213 = tpu.memref_slice %arg11[%mul3A_0, %dma_wait3A_212] : memref<10112x128xf32, #tpu.memory_space<vmem_shared>> -> memref<632x128xf32, #tpu.memory_space<vmem_shared>>
      tpu.wait_dma2 semaphore(%run_scoped3A_203 : memref<!tpu.dma_semaphore, #tpu.memory_space<semaphore_mem>>) src(%dma_wait3A_213 : memref<632x128xf32, #tpu.memory_space<vmem_shared>>) dst(%dma_wait3A_211 : memref<632x128xf32, #tpu.memory_space<hbm>>)
      tpu.yield
    }) : () -> ()
    "tpu.region"() ({
      %run_scoped3A_203 = tpu.sem_alloc : memref<!tpu.dma_semaphore, #tpu.memory_space<semaphore_mem>>
      %dma_start3A_204 = arith.constant 0 : i32
      %dma_start3A_205 = tpu.memref_slice %arg11[%mul3A_0, %dma_start3A_204] : memref<10112x128xf32, #tpu.memory_space<vmem_shared>> -> memref<632x128xf32, #tpu.memory_space<vmem_shared>>
      %dma_start3A_206 = arith.constant 0 : i32
      %dma_start3A_207 = tpu.memref_slice %arg5[%mul3A_0, %dma_start3A_206] : memref<10112x128xf32, #tpu.memory_space<hbm>> -> memref<632x128xf32, #tpu.memory_space<hbm>>
      tpu.enqueue_dma source(%dma_start3A_207 : memref<632x128xf32, #tpu.memory_space<hbm>>) target(%dma_start3A_205 : memref<632x128xf32, #tpu.memory_space<vmem_shared>>) target_semaphore(%run_scoped3A_203 : memref<!tpu.dma_semaphore, #tpu.memory_space<semaphore_mem>>)
      %dma_wait3A_208 = arith.constant 0 : i32
      %dma_wait3A_209 = tpu.memref_slice %arg11[%mul3A_0, %dma_wait3A_208] : memref<10112x128xf32, #tpu.memory_space<vmem_shared>> -> memref<632x128xf32, #tpu.memory_space<vmem_shared>>
      %dma_wait3A_210 = arith.constant 0 : i32
      %dma_wait3A_211 = tpu.memref_slice %arg5[%mul3A_0, %dma_wait3A_210] : memref<10112x128xf32, #tpu.memory_space<hbm>> -> memref<632x128xf32, #tpu.memory_space<hbm>>
      tpu.wait_dma2 semaphore(%run_scoped3A_203 : memref<!tpu.dma_semaphore, #tpu.memory_space<semaphore_mem>>) src(%dma_wait3A_211 : memref<632x128xf32, #tpu.memory_space<hbm>>) dst(%dma_wait3A_209 : memref<632x128xf32, #tpu.memory_space<vmem_shared>>)
      tpu.yield
    }) : () -> ()
    %barrier3A_65 = arith.constant 0 : index
    tpu.barrier barrier_id(%barrier3A_65)
    %run_scoped3A_66 = arith.constant 1 : i32
    "tpu.region"() ({
      %run_scoped3A_203 = tpu.sem_alloc : memref<!tpu.dma_semaphore, #tpu.memory_space<semaphore_mem>>
      %dma_start3A_204 = arith.constant 0 : i32
      %dma_start3A_205 = arith.constant 0 : i32
      %dma_start3A_206 = tpu.memref_slice %arg3[%run_scoped3A_66, %arg0, %arg1, %dma_start3A_204, %dma_start3A_205] : memref<3x2x16x88x128xi32, #tpu.memory_space<hbm>> -> memref<1x1x1x48x128xi32, #tpu.memory_space<hbm>>
      %dma_start3A_207 = tpu.memref_squeeze %dma_start3A_206 : memref<1x1x1x48x128xi32, #tpu.memory_space<hbm>> -> memref<48x128xi32, #tpu.memory_space<hbm>>
      %dma_start3A_208 = arith.constant 0 : i32
      %dma_start3A_209 = arith.constant 0 : i32
      %dma_start3A_210 = tpu.memref_slice %arg3[%run_scoped3A_66, %arg0, %arg1, %dma_start3A_208, %dma_start3A_209] : memref<3x2x16x88x128xi32, #tpu.memory_space<hbm>> -> memref<1x1x1x48x128xi32, #tpu.memory_space<hbm>>
      %dma_start3A_211 = tpu.memref_squeeze %dma_start3A_210 : memref<1x1x1x48x128xi32, #tpu.memory_space<hbm>> -> memref<48x128xi32, #tpu.memory_space<hbm>>
      tpu.enqueue_dma source(%dma_start3A_211 : memref<48x128xi32, #tpu.memory_space<hbm>>) target(%arg7 : memref<48x128xi32, #tpu.memory_space<vmem>>) target_semaphore(%run_scoped3A_203 : memref<!tpu.dma_semaphore, #tpu.memory_space<semaphore_mem>>)
      %dma_wait3A_212 = arith.constant 0 : i32
      %dma_wait3A_213 = arith.constant 0 : i32
      %dma_wait3A_214 = tpu.memref_slice %arg3[%run_scoped3A_66, %arg0, %arg1, %dma_wait3A_212, %dma_wait3A_213] : memref<3x2x16x88x128xi32, #tpu.memory_space<hbm>> -> memref<1x1x1x48x128xi32, #tpu.memory_space<hbm>>
      %dma_wait3A_215 = tpu.memref_squeeze %dma_wait3A_214 : memref<1x1x1x48x128xi32, #tpu.memory_space<hbm>> -> memref<48x128xi32, #tpu.memory_space<hbm>>
      %dma_wait3A_216 = arith.constant 0 : i32
      %dma_wait3A_217 = arith.constant 0 : i32
      %dma_wait3A_218 = tpu.memref_slice %arg3[%run_scoped3A_66, %arg0, %arg1, %dma_wait3A_216, %dma_wait3A_217] : memref<3x2x16x88x128xi32, #tpu.memory_space<hbm>> -> memref<1x1x1x48x128xi32, #tpu.memory_space<hbm>>
      %dma_wait3A_219 = tpu.memref_squeeze %dma_wait3A_218 : memref<1x1x1x48x128xi32, #tpu.memory_space<hbm>> -> memref<48x128xi32, #tpu.memory_space<hbm>>
      tpu.wait_dma2 semaphore(%run_scoped3A_203 : memref<!tpu.dma_semaphore, #tpu.memory_space<semaphore_mem>>) src(%dma_wait3A_219 : memref<48x128xi32, #tpu.memory_space<hbm>>) dst(%arg7 : memref<48x128xi32, #tpu.memory_space<vmem>>)
      tpu.yield
    }) : () -> ()
    %run_scoped3A_67 = arith.constant 1 : i32
    "tpu.region"() ({
      %run_scoped3A_203 = tpu.sem_alloc : memref<!tpu.dma_semaphore, #tpu.memory_space<semaphore_mem>>
      %dma_start3A_204 = arith.constant 0 : i32
      %dma_start3A_205 = arith.constant 0 : i32
      %dma_start3A_206 = tpu.memref_slice %arg4[%run_scoped3A_67, %arg0, %arg1, %dma_start3A_204, %dma_start3A_205] : memref<3x2x16x88x128xi32, #tpu.memory_space<hbm>> -> memref<1x1x1x48x128xi32, #tpu.memory_space<hbm>>
      %dma_start3A_207 = tpu.memref_squeeze %dma_start3A_206 : memref<1x1x1x48x128xi32, #tpu.memory_space<hbm>> -> memref<48x128xi32, #tpu.memory_space<hbm>>
      %dma_start3A_208 = arith.constant 0 : i32
      %dma_start3A_209 = arith.constant 0 : i32
      %dma_start3A_210 = tpu.memref_slice %arg4[%run_scoped3A_67, %arg0, %arg1, %dma_start3A_208, %dma_start3A_209] : memref<3x2x16x88x128xi32, #tpu.memory_space<hbm>> -> memref<1x1x1x48x128xi32, #tpu.memory_space<hbm>>
      %dma_start3A_211 = tpu.memref_squeeze %dma_start3A_210 : memref<1x1x1x48x128xi32, #tpu.memory_space<hbm>> -> memref<48x128xi32, #tpu.memory_space<hbm>>
      tpu.enqueue_dma source(%dma_start3A_211 : memref<48x128xi32, #tpu.memory_space<hbm>>) target(%arg8 : memref<48x128xi32, #tpu.memory_space<vmem>>) target_semaphore(%run_scoped3A_203 : memref<!tpu.dma_semaphore, #tpu.memory_space<semaphore_mem>>)
      %dma_wait3A_212 = arith.constant 0 : i32
      %dma_wait3A_213 = arith.constant 0 : i32
      %dma_wait3A_214 = tpu.memref_slice %arg4[%run_scoped3A_67, %arg0, %arg1, %dma_wait3A_212, %dma_wait3A_213] : memref<3x2x16x88x128xi32, #tpu.memory_space<hbm>> -> memref<1x1x1x48x128xi32, #tpu.memory_space<hbm>>
      %dma_wait3A_215 = tpu.memref_squeeze %dma_wait3A_214 : memref<1x1x1x48x128xi32, #tpu.memory_space<hbm>> -> memref<48x128xi32, #tpu.memory_space<hbm>>
      %dma_wait3A_216 = arith.constant 0 : i32
      %dma_wait3A_217 = arith.constant 0 : i32
      %dma_wait3A_218 = tpu.memref_slice %arg4[%run_scoped3A_67, %arg0, %arg1, %dma_wait3A_216, %dma_wait3A_217] : memref<3x2x16x88x128xi32, #tpu.memory_space<hbm>> -> memref<1x1x1x48x128xi32, #tpu.memory_space<hbm>>
      %dma_wait3A_219 = tpu.memref_squeeze %dma_wait3A_218 : memref<1x1x1x48x128xi32, #tpu.memory_space<hbm>> -> memref<48x128xi32, #tpu.memory_space<hbm>>
      tpu.wait_dma2 semaphore(%run_scoped3A_203 : memref<!tpu.dma_semaphore, #tpu.memory_space<semaphore_mem>>) src(%dma_wait3A_219 : memref<48x128xi32, #tpu.memory_space<hbm>>) dst(%arg8 : memref<48x128xi32, #tpu.memory_space<vmem>>)
      tpu.yield
    }) : () -> ()
    %dma_start3A_68 = arith.constant 0 : i32
    %dma_start3A_69 = arith.constant 0 : i32
    %dma_start3A_70 = tpu.memref_slice %arg7[%dma_start3A_68, %dma_start3A_69] : memref<48x128xi32, #tpu.memory_space<vmem>> -> memref<1x128xi32, #tpu.memory_space<vmem>>
    %dma_start3A_71 = tpu.memref_squeeze %dma_start3A_70 : memref<1x128xi32, #tpu.memory_space<vmem>> -> memref<128xi32, #tpu.memory_space<vmem>>
    %dma_start3A_72 = arith.constant 0 : i32
    %dma_start3A_73 = arith.constant 0 : i32
    %dma_start3A_74 = tpu.memref_slice %arg2[%dma_start3A_72, %dma_start3A_73] : memref<10000x128xf32, #tpu.memory_space<hbm>> -> memref<10000x128xf32, #tpu.memory_space<hbm>>
    tpu.enqueue_indirect_dma source(%dma_start3A_74 : memref<10000x128xf32, #tpu.memory_space<hbm>>) target(%arg9 : memref<128x128xf32, #tpu.memory_space<vmem>>) offsets(%dma_start3A_71 : memref<128xi32, #tpu.memory_space<vmem>>) semaphore(%arg12 : memref<!tpu.dma_semaphore, #tpu.memory_space<semaphore_mem>>)
    %dma_start3A_75 = arith.constant 1 : i32
    %dma_start3A_76 = arith.constant 0 : i32
    %dma_start3A_77 = tpu.memref_slice %arg7[%dma_start3A_75, %dma_start3A_76] : memref<48x128xi32, #tpu.memory_space<vmem>> -> memref<1x128xi32, #tpu.memory_space<vmem>>
    %dma_start3A_78 = tpu.memref_squeeze %dma_start3A_77 : memref<1x128xi32, #tpu.memory_space<vmem>> -> memref<128xi32, #tpu.memory_space<vmem>>
    %dma_start3A_79 = arith.constant 0 : i32
    %dma_start3A_80 = arith.constant 0 : i32
    %dma_start3A_81 = tpu.memref_slice %arg2[%dma_start3A_79, %dma_start3A_80] : memref<10000x128xf32, #tpu.memory_space<hbm>> -> memref<10000x128xf32, #tpu.memory_space<hbm>>
    tpu.enqueue_indirect_dma source(%dma_start3A_81 : memref<10000x128xf32, #tpu.memory_space<hbm>>) target(%arg10 : memref<128x128xf32, #tpu.memory_space<vmem>>) offsets(%dma_start3A_78 : memref<128xi32, #tpu.memory_space<vmem>>) semaphore(%arg13 : memref<!tpu.dma_semaphore, #tpu.memory_space<semaphore_mem>>)
    %scan3A_82 = arith.constant 0 : i32
    %scan3A_83 = arith.constant 20 : i32
    %scan3A_84 = arith.addi %scan3A_82, %scan3A_83 : i32
    %scan3A_85 = arith.constant 1 : i32
    scf.for %scan3A_203 = %scan3A_82 to %scan3A_84 step %scan3A_85  : i32 {
      %mul3A_204 = arith.constant 1 : i32
      %mul3A_205 = arith.muli %scan3A_203, %mul3A_204 : i32
      %add3A = arith.constant 0 : i32
      %add3A_206 = arith.addi %add3A, %mul3A_205 : i32
      %mul3A_207 = arith.constant 2 : i32
      %mul3A_208 = arith.muli %add3A_206, %mul3A_207 : i32
      %dma_wait3A_209 = arith.constant 0 : i32
      %dma_wait3A_210 = arith.constant 0 : i32
      %dma_wait3A_211 = tpu.memref_slice %arg5[%dma_wait3A_209, %dma_wait3A_210] : memref<10112x128xf32, #tpu.memory_space<hbm>> -> memref<128x128xf32, #tpu.memory_space<hbm>>
      %dma_wait3A_212 = arith.constant 0 : i32
      %dma_wait3A_213 = arith.constant 0 : i32
      %dma_wait3A_214 = tpu.memref_slice %arg5[%dma_wait3A_212, %dma_wait3A_213] : memref<10112x128xf32, #tpu.memory_space<hbm>> -> memref<128x128xf32, #tpu.memory_space<hbm>>
      tpu.wait_dma2 semaphore(%arg12 : memref<!tpu.dma_semaphore, #tpu.memory_space<semaphore_mem>>) src(%dma_wait3A_214 : memref<128x128xf32, #tpu.memory_space<hbm>>) dst(%arg9 : memref<128x128xf32, #tpu.memory_space<vmem>>)
      %add3A_215 = arith.constant 0 : i32
      %add3A_216 = arith.addi %mul3A_208, %add3A_215 : i32
      "tpu.region"() ({
        %run_scoped3A_245 = tpu.sem_alloc : memref<!tpu.dma_semaphore, #tpu.memory_space<semaphore_mem>>
        %dma_start3A_246 = arith.constant 0 : i32
        %dma_start3A_247 = tpu.memref_slice %arg8[%add3A_216, %dma_start3A_246] : memref<48x128xi32, #tpu.memory_space<vmem>> -> memref<1x128xi32, #tpu.memory_space<vmem>>
        %dma_start3A_248 = tpu.memref_squeeze %dma_start3A_247 : memref<1x128xi32, #tpu.memory_space<vmem>> -> memref<128xi32, #tpu.memory_space<vmem>>
        %dma_start3A_249 = arith.constant 0 : i32
        %dma_start3A_250 = arith.constant 0 : i32
        %dma_start3A_251 = tpu.memref_slice %arg11[%dma_start3A_249, %dma_start3A_250] : memref<10112x128xf32, #tpu.memory_space<vmem_shared>> -> memref<10112x128xf32, #tpu.memory_space<vmem_shared>>
        tpu.enqueue_indirect_dma source(%arg9 : memref<128x128xf32, #tpu.memory_space<vmem>>) target(%dma_start3A_251 : memref<10112x128xf32, #tpu.memory_space<vmem_shared>>) offsets(%dma_start3A_248 : memref<128xi32, #tpu.memory_space<vmem>>) semaphore(%run_scoped3A_245 : memref<!tpu.dma_semaphore, #tpu.memory_space<semaphore_mem>>) {add = true}
        %dma_wait3A_252 = arith.constant 0 : i32
        %dma_wait3A_253 = tpu.memref_slice %arg8[%add3A_216, %dma_wait3A_252] : memref<48x128xi32, #tpu.memory_space<vmem>> -> memref<1x128xi32, #tpu.memory_space<vmem>>
        %dma_wait3A_254 = tpu.memref_squeeze %dma_wait3A_253 : memref<1x128xi32, #tpu.memory_space<vmem>> -> memref<128xi32, #tpu.memory_space<vmem>>
        %dma_wait3A_255 = arith.constant 0 : i32
        %dma_wait3A_256 = arith.constant 0 : i32
        %dma_wait3A_257 = tpu.memref_slice %arg11[%dma_wait3A_255, %dma_wait3A_256] : memref<10112x128xf32, #tpu.memory_space<vmem_shared>> -> memref<10112x128xf32, #tpu.memory_space<vmem_shared>>
        tpu.wait_indirect_dma semaphore(%run_scoped3A_245 : memref<!tpu.dma_semaphore, #tpu.memory_space<semaphore_mem>>) src(%arg9 : memref<128x128xf32, #tpu.memory_space<vmem>>) dst(%dma_wait3A_257 : memref<10112x128xf32, #tpu.memory_space<vmem_shared>>)
        tpu.yield
      }) : () -> ()
      %add3A_217 = arith.constant 2 : i32
      %add3A_218 = arith.addi %mul3A_208, %add3A_217 : i32
      %add3A_219 = arith.constant 0 : i32
      %add3A_220 = arith.addi %add3A_218, %add3A_219 : i32
      %dma_start3A_221 = arith.constant 0 : i32
      %dma_start3A_222 = tpu.memref_slice %arg7[%add3A_220, %dma_start3A_221] : memref<48x128xi32, #tpu.memory_space<vmem>> -> memref<1x128xi32, #tpu.memory_space<vmem>>
      %dma_start3A_223 = tpu.memref_squeeze %dma_start3A_222 : memref<1x128xi32, #tpu.memory_space<vmem>> -> memref<128xi32, #tpu.memory_space<vmem>>
      %dma_start3A_224 = arith.constant 0 : i32
      %dma_start3A_225 = arith.constant 0 : i32
      %dma_start3A_226 = tpu.memref_slice %arg2[%dma_start3A_224, %dma_start3A_225] : memref<10000x128xf32, #tpu.memory_space<hbm>> -> memref<10000x128xf32, #tpu.memory_space<hbm>>
      tpu.enqueue_indirect_dma source(%dma_start3A_226 : memref<10000x128xf32, #tpu.memory_space<hbm>>) target(%arg9 : memref<128x128xf32, #tpu.memory_space<vmem>>) offsets(%dma_start3A_223 : memref<128xi32, #tpu.memory_space<vmem>>) semaphore(%arg12 : memref<!tpu.dma_semaphore, #tpu.memory_space<semaphore_mem>>)
      %dma_wait3A_227 = arith.constant 0 : i32
      %dma_wait3A_228 = arith.constant 0 : i32
      %dma_wait3A_229 = tpu.memref_slice %arg5[%dma_wait3A_227, %dma_wait3A_228] : memref<10112x128xf32, #tpu.memory_space<hbm>> -> memref<128x128xf32, #tpu.memory_space<hbm>>
      %dma_wait3A_230 = arith.constant 0 : i32
      %dma_wait3A_231 = arith.constant 0 : i32
      %dma_wait3A_232 = tpu.memref_slice %arg5[%dma_wait3A_230, %dma_wait3A_231] : memref<10112x128xf32, #tpu.memory_space<hbm>> -> memref<128x128xf32, #tpu.memory_space<hbm>>
      tpu.wait_dma2 semaphore(%arg13 : memref<!tpu.dma_semaphore, #tpu.memory_space<semaphore_mem>>) src(%dma_wait3A_232 : memref<128x128xf32, #tpu.memory_space<hbm>>) dst(%arg10 : memref<128x128xf32, #tpu.memory_space<vmem>>)
      %add3A_233 = arith.constant 1 : i32
      %add3A_234 = arith.addi %mul3A_208, %add3A_233 : i32
      "tpu.region"() ({
        %run_scoped3A_245 = tpu.sem_alloc : memref<!tpu.dma_semaphore, #tpu.memory_space<semaphore_mem>>
        %dma_start3A_246 = arith.constant 0 : i32
        %dma_start3A_247 = tpu.memref_slice %arg8[%add3A_234, %dma_start3A_246] : memref<48x128xi32, #tpu.memory_space<vmem>> -> memref<1x128xi32, #tpu.memory_space<vmem>>
        %dma_start3A_248 = tpu.memref_squeeze %dma_start3A_247 : memref<1x128xi32, #tpu.memory_space<vmem>> -> memref<128xi32, #tpu.memory_space<vmem>>
        %dma_start3A_249 = arith.constant 0 : i32
        %dma_start3A_250 = arith.constant 0 : i32
        %dma_start3A_251 = tpu.memref_slice %arg11[%dma_start3A_249, %dma_start3A_250] : memref<10112x128xf32, #tpu.memory_space<vmem_shared>> -> memref<10112x128xf32, #tpu.memory_space<vmem_shared>>
        tpu.enqueue_indirect_dma source(%arg10 : memref<128x128xf32, #tpu.memory_space<vmem>>) target(%dma_start3A_251 : memref<10112x128xf32, #tpu.memory_space<vmem_shared>>) offsets(%dma_start3A_248 : memref<128xi32, #tpu.memory_space<vmem>>) semaphore(%run_scoped3A_245 : memref<!tpu.dma_semaphore, #tpu.memory_space<semaphore_mem>>) {add = true}
        %dma_wait3A_252 = arith.constant 0 : i32
        %dma_wait3A_253 = tpu.memref_slice %arg8[%add3A_234, %dma_wait3A_252] : memref<48x128xi32, #tpu.memory_space<vmem>> -> memref<1x128xi32, #tpu.memory_space<vmem>>
        %dma_wait3A_254 = tpu.memref_squeeze %dma_wait3A_253 : memref<1x128xi32, #tpu.memory_space<vmem>> -> memref<128xi32, #tpu.memory_space<vmem>>
        %dma_wait3A_255 = arith.constant 0 : i32
        %dma_wait3A_256 = arith.constant 0 : i32
        %dma_wait3A_257 = tpu.memref_slice %arg11[%dma_wait3A_255, %dma_wait3A_256] : memref<10112x128xf32, #tpu.memory_space<vmem_shared>> -> memref<10112x128xf32, #tpu.memory_space<vmem_shared>>
        tpu.wait_indirect_dma semaphore(%run_scoped3A_245 : memref<!tpu.dma_semaphore, #tpu.memory_space<semaphore_mem>>) src(%arg10 : memref<128x128xf32, #tpu.memory_space<vmem>>) dst(%dma_wait3A_257 : memref<10112x128xf32, #tpu.memory_space<vmem_shared>>)
        tpu.yield
      }) : () -> ()
      %add3A_235 = arith.constant 2 : i32
      %add3A_236 = arith.addi %mul3A_208, %add3A_235 : i32
      %add3A_237 = arith.constant 1 : i32
      %add3A_238 = arith.addi %add3A_236, %add3A_237 : i32
      %dma_start3A_239 = arith.constant 0 : i32
      %dma_start3A_240 = tpu.memref_slice %arg7[%add3A_238, %dma_start3A_239] : memref<48x128xi32, #tpu.memory_space<vmem>> -> memref<1x128xi32, #tpu.memory_space<vmem>>
      %dma_start3A_241 = tpu.memref_squeeze %dma_start3A_240 : memref<1x128xi32, #tpu.memory_space<vmem>> -> memref<128xi32, #tpu.memory_space<vmem>>
      %dma_start3A_242 = arith.constant 0 : i32
      %dma_start3A_243 = arith.constant 0 : i32
      %dma_start3A_244 = tpu.memref_slice %arg2[%dma_start3A_242, %dma_start3A_243] : memref<10000x128xf32, #tpu.memory_space<hbm>> -> memref<10000x128xf32, #tpu.memory_space<hbm>>
      tpu.enqueue_indirect_dma source(%dma_start3A_244 : memref<10000x128xf32, #tpu.memory_space<hbm>>) target(%arg10 : memref<128x128xf32, #tpu.memory_space<vmem>>) offsets(%dma_start3A_241 : memref<128xi32, #tpu.memory_space<vmem>>) semaphore(%arg13 : memref<!tpu.dma_semaphore, #tpu.memory_space<semaphore_mem>>)
    }
    %scan3A_86 = arith.constant 20 : i32
    %dma_wait3A_87 = arith.constant 0 : i32
    %dma_wait3A_88 = arith.constant 0 : i32
    %dma_wait3A_89 = tpu.memref_slice %arg5[%dma_wait3A_87, %dma_wait3A_88] : memref<10112x128xf32, #tpu.memory_space<hbm>> -> memref<128x128xf32, #tpu.memory_space<hbm>>
    %dma_wait3A_90 = arith.constant 0 : i32
    %dma_wait3A_91 = arith.constant 0 : i32
    %dma_wait3A_92 = tpu.memref_slice %arg5[%dma_wait3A_90, %dma_wait3A_91] : memref<10112x128xf32, #tpu.memory_space<hbm>> -> memref<128x128xf32, #tpu.memory_space<hbm>>
    tpu.wait_dma2 semaphore(%arg12 : memref<!tpu.dma_semaphore, #tpu.memory_space<semaphore_mem>>) src(%dma_wait3A_92 : memref<128x128xf32, #tpu.memory_space<hbm>>) dst(%arg9 : memref<128x128xf32, #tpu.memory_space<vmem>>)
    %dma_wait3A_93 = arith.constant 0 : i32
    %dma_wait3A_94 = arith.constant 0 : i32
    %dma_wait3A_95 = tpu.memref_slice %arg5[%dma_wait3A_93, %dma_wait3A_94] : memref<10112x128xf32, #tpu.memory_space<hbm>> -> memref<128x128xf32, #tpu.memory_space<hbm>>
    %dma_wait3A_96 = arith.constant 0 : i32
    %dma_wait3A_97 = arith.constant 0 : i32
    %dma_wait3A_98 = tpu.memref_slice %arg5[%dma_wait3A_96, %dma_wait3A_97] : memref<10112x128xf32, #tpu.memory_space<hbm>> -> memref<128x128xf32, #tpu.memory_space<hbm>>
    tpu.wait_dma2 semaphore(%arg13 : memref<!tpu.dma_semaphore, #tpu.memory_space<semaphore_mem>>) src(%dma_wait3A_98 : memref<128x128xf32, #tpu.memory_space<hbm>>) dst(%arg10 : memref<128x128xf32, #tpu.memory_space<vmem>>)
    %run_scoped3A_99 = arith.constant 1 : i32
    "tpu.region"() ({
      %run_scoped3A_203 = tpu.sem_alloc : memref<!tpu.dma_semaphore, #tpu.memory_space<semaphore_mem>>
      %dma_start3A_204 = arith.constant 40 : i32
      %dma_start3A_205 = arith.constant 0 : i32
      %dma_start3A_206 = tpu.memref_slice %arg3[%run_scoped3A_99, %arg0, %arg1, %dma_start3A_204, %dma_start3A_205] : memref<3x2x16x88x128xi32, #tpu.memory_space<hbm>> -> memref<1x1x1x48x128xi32, #tpu.memory_space<hbm>>
      %dma_start3A_207 = tpu.memref_squeeze %dma_start3A_206 : memref<1x1x1x48x128xi32, #tpu.memory_space<hbm>> -> memref<48x128xi32, #tpu.memory_space<hbm>>
      %dma_start3A_208 = arith.constant 40 : i32
      %dma_start3A_209 = arith.constant 0 : i32
      %dma_start3A_210 = tpu.memref_slice %arg3[%run_scoped3A_99, %arg0, %arg1, %dma_start3A_208, %dma_start3A_209] : memref<3x2x16x88x128xi32, #tpu.memory_space<hbm>> -> memref<1x1x1x48x128xi32, #tpu.memory_space<hbm>>
      %dma_start3A_211 = tpu.memref_squeeze %dma_start3A_210 : memref<1x1x1x48x128xi32, #tpu.memory_space<hbm>> -> memref<48x128xi32, #tpu.memory_space<hbm>>
      tpu.enqueue_dma source(%dma_start3A_211 : memref<48x128xi32, #tpu.memory_space<hbm>>) target(%arg7 : memref<48x128xi32, #tpu.memory_space<vmem>>) target_semaphore(%run_scoped3A_203 : memref<!tpu.dma_semaphore, #tpu.memory_space<semaphore_mem>>)
      %dma_wait3A_212 = arith.constant 40 : i32
      %dma_wait3A_213 = arith.constant 0 : i32
      %dma_wait3A_214 = tpu.memref_slice %arg3[%run_scoped3A_99, %arg0, %arg1, %dma_wait3A_212, %dma_wait3A_213] : memref<3x2x16x88x128xi32, #tpu.memory_space<hbm>> -> memref<1x1x1x48x128xi32, #tpu.memory_space<hbm>>
      %dma_wait3A_215 = tpu.memref_squeeze %dma_wait3A_214 : memref<1x1x1x48x128xi32, #tpu.memory_space<hbm>> -> memref<48x128xi32, #tpu.memory_space<hbm>>
      %dma_wait3A_216 = arith.constant 40 : i32
      %dma_wait3A_217 = arith.constant 0 : i32
      %dma_wait3A_218 = tpu.memref_slice %arg3[%run_scoped3A_99, %arg0, %arg1, %dma_wait3A_216, %dma_wait3A_217] : memref<3x2x16x88x128xi32, #tpu.memory_space<hbm>> -> memref<1x1x1x48x128xi32, #tpu.memory_space<hbm>>
      %dma_wait3A_219 = tpu.memref_squeeze %dma_wait3A_218 : memref<1x1x1x48x128xi32, #tpu.memory_space<hbm>> -> memref<48x128xi32, #tpu.memory_space<hbm>>
      tpu.wait_dma2 semaphore(%run_scoped3A_203 : memref<!tpu.dma_semaphore, #tpu.memory_space<semaphore_mem>>) src(%dma_wait3A_219 : memref<48x128xi32, #tpu.memory_space<hbm>>) dst(%arg7 : memref<48x128xi32, #tpu.memory_space<vmem>>)
      tpu.yield
    }) : () -> ()
    %run_scoped3A_100 = arith.constant 1 : i32
    "tpu.region"() ({
      %run_scoped3A_203 = tpu.sem_alloc : memref<!tpu.dma_semaphore, #tpu.memory_space<semaphore_mem>>
      %dma_start3A_204 = arith.constant 40 : i32
      %dma_start3A_205 = arith.constant 0 : i32
      %dma_start3A_206 = tpu.memref_slice %arg4[%run_scoped3A_100, %arg0, %arg1, %dma_start3A_204, %dma_start3A_205] : memref<3x2x16x88x128xi32, #tpu.memory_space<hbm>> -> memref<1x1x1x48x128xi32, #tpu.memory_space<hbm>>
      %dma_start3A_207 = tpu.memref_squeeze %dma_start3A_206 : memref<1x1x1x48x128xi32, #tpu.memory_space<hbm>> -> memref<48x128xi32, #tpu.memory_space<hbm>>
      %dma_start3A_208 = arith.constant 40 : i32
      %dma_start3A_209 = arith.constant 0 : i32
      %dma_start3A_210 = tpu.memref_slice %arg4[%run_scoped3A_100, %arg0, %arg1, %dma_start3A_208, %dma_start3A_209] : memref<3x2x16x88x128xi32, #tpu.memory_space<hbm>> -> memref<1x1x1x48x128xi32, #tpu.memory_space<hbm>>
      %dma_start3A_211 = tpu.memref_squeeze %dma_start3A_210 : memref<1x1x1x48x128xi32, #tpu.memory_space<hbm>> -> memref<48x128xi32, #tpu.memory_space<hbm>>
      tpu.enqueue_dma source(%dma_start3A_211 : memref<48x128xi32, #tpu.memory_space<hbm>>) target(%arg8 : memref<48x128xi32, #tpu.memory_space<vmem>>) target_semaphore(%run_scoped3A_203 : memref<!tpu.dma_semaphore, #tpu.memory_space<semaphore_mem>>)
      %dma_wait3A_212 = arith.constant 40 : i32
      %dma_wait3A_213 = arith.constant 0 : i32
      %dma_wait3A_214 = tpu.memref_slice %arg4[%run_scoped3A_100, %arg0, %arg1, %dma_wait3A_212, %dma_wait3A_213] : memref<3x2x16x88x128xi32, #tpu.memory_space<hbm>> -> memref<1x1x1x48x128xi32, #tpu.memory_space<hbm>>
      %dma_wait3A_215 = tpu.memref_squeeze %dma_wait3A_214 : memref<1x1x1x48x128xi32, #tpu.memory_space<hbm>> -> memref<48x128xi32, #tpu.memory_space<hbm>>
      %dma_wait3A_216 = arith.constant 40 : i32
      %dma_wait3A_217 = arith.constant 0 : i32
      %dma_wait3A_218 = tpu.memref_slice %arg4[%run_scoped3A_100, %arg0, %arg1, %dma_wait3A_216, %dma_wait3A_217] : memref<3x2x16x88x128xi32, #tpu.memory_space<hbm>> -> memref<1x1x1x48x128xi32, #tpu.memory_space<hbm>>
      %dma_wait3A_219 = tpu.memref_squeeze %dma_wait3A_218 : memref<1x1x1x48x128xi32, #tpu.memory_space<hbm>> -> memref<48x128xi32, #tpu.memory_space<hbm>>
      tpu.wait_dma2 semaphore(%run_scoped3A_203 : memref<!tpu.dma_semaphore, #tpu.memory_space<semaphore_mem>>) src(%dma_wait3A_219 : memref<48x128xi32, #tpu.memory_space<hbm>>) dst(%arg8 : memref<48x128xi32, #tpu.memory_space<vmem>>)
      tpu.yield
    }) : () -> ()
    %dma_start3A_101 = arith.constant 0 : i32
    %dma_start3A_102 = arith.constant 0 : i32
    %dma_start3A_103 = tpu.memref_slice %arg7[%dma_start3A_101, %dma_start3A_102] : memref<48x128xi32, #tpu.memory_space<vmem>> -> memref<1x128xi32, #tpu.memory_space<vmem>>
    %dma_start3A_104 = tpu.memref_squeeze %dma_start3A_103 : memref<1x128xi32, #tpu.memory_space<vmem>> -> memref<128xi32, #tpu.memory_space<vmem>>
    %dma_start3A_105 = arith.constant 0 : i32
    %dma_start3A_106 = arith.constant 0 : i32
    %dma_start3A_107 = tpu.memref_slice %arg2[%dma_start3A_105, %dma_start3A_106] : memref<10000x128xf32, #tpu.memory_space<hbm>> -> memref<10000x128xf32, #tpu.memory_space<hbm>>
    tpu.enqueue_indirect_dma source(%dma_start3A_107 : memref<10000x128xf32, #tpu.memory_space<hbm>>) target(%arg9 : memref<128x128xf32, #tpu.memory_space<vmem>>) offsets(%dma_start3A_104 : memref<128xi32, #tpu.memory_space<vmem>>) semaphore(%arg12 : memref<!tpu.dma_semaphore, #tpu.memory_space<semaphore_mem>>)
    %dma_start3A_108 = arith.constant 1 : i32
    %dma_start3A_109 = arith.constant 0 : i32
    %dma_start3A_110 = tpu.memref_slice %arg7[%dma_start3A_108, %dma_start3A_109] : memref<48x128xi32, #tpu.memory_space<vmem>> -> memref<1x128xi32, #tpu.memory_space<vmem>>
    %dma_start3A_111 = tpu.memref_squeeze %dma_start3A_110 : memref<1x128xi32, #tpu.memory_space<vmem>> -> memref<128xi32, #tpu.memory_space<vmem>>
    %dma_start3A_112 = arith.constant 0 : i32
    %dma_start3A_113 = arith.constant 0 : i32
    %dma_start3A_114 = tpu.memref_slice %arg2[%dma_start3A_112, %dma_start3A_113] : memref<10000x128xf32, #tpu.memory_space<hbm>> -> memref<10000x128xf32, #tpu.memory_space<hbm>>
    tpu.enqueue_indirect_dma source(%dma_start3A_114 : memref<10000x128xf32, #tpu.memory_space<hbm>>) target(%arg10 : memref<128x128xf32, #tpu.memory_space<vmem>>) offsets(%dma_start3A_111 : memref<128xi32, #tpu.memory_space<vmem>>) semaphore(%arg13 : memref<!tpu.dma_semaphore, #tpu.memory_space<semaphore_mem>>)
    %scan3A_115 = arith.constant 0 : i32
    %scan3A_116 = arith.constant 20 : i32
    %scan3A_117 = arith.addi %scan3A_115, %scan3A_116 : i32
    %scan3A_118 = arith.constant 1 : i32
    scf.for %scan3A_203 = %scan3A_115 to %scan3A_117 step %scan3A_118  : i32 {
      %mul3A_204 = arith.constant 1 : i32
      %mul3A_205 = arith.muli %scan3A_203, %mul3A_204 : i32
      %add3A = arith.constant 0 : i32
      %add3A_206 = arith.addi %add3A, %mul3A_205 : i32
      %mul3A_207 = arith.constant 2 : i32
      %mul3A_208 = arith.muli %add3A_206, %mul3A_207 : i32
      %dma_wait3A_209 = arith.constant 0 : i32
      %dma_wait3A_210 = arith.constant 0 : i32
      %dma_wait3A_211 = tpu.memref_slice %arg5[%dma_wait3A_209, %dma_wait3A_210] : memref<10112x128xf32, #tpu.memory_space<hbm>> -> memref<128x128xf32, #tpu.memory_space<hbm>>
      %dma_wait3A_212 = arith.constant 0 : i32
      %dma_wait3A_213 = arith.constant 0 : i32
      %dma_wait3A_214 = tpu.memref_slice %arg5[%dma_wait3A_212, %dma_wait3A_213] : memref<10112x128xf32, #tpu.memory_space<hbm>> -> memref<128x128xf32, #tpu.memory_space<hbm>>
      tpu.wait_dma2 semaphore(%arg12 : memref<!tpu.dma_semaphore, #tpu.memory_space<semaphore_mem>>) src(%dma_wait3A_214 : memref<128x128xf32, #tpu.memory_space<hbm>>) dst(%arg9 : memref<128x128xf32, #tpu.memory_space<vmem>>)
      %add3A_215 = arith.constant 0 : i32
      %add3A_216 = arith.addi %mul3A_208, %add3A_215 : i32
      "tpu.region"() ({
        %run_scoped3A_245 = tpu.sem_alloc : memref<!tpu.dma_semaphore, #tpu.memory_space<semaphore_mem>>
        %dma_start3A_246 = arith.constant 0 : i32
        %dma_start3A_247 = tpu.memref_slice %arg8[%add3A_216, %dma_start3A_246] : memref<48x128xi32, #tpu.memory_space<vmem>> -> memref<1x128xi32, #tpu.memory_space<vmem>>
        %dma_start3A_248 = tpu.memref_squeeze %dma_start3A_247 : memref<1x128xi32, #tpu.memory_space<vmem>> -> memref<128xi32, #tpu.memory_space<vmem>>
        %dma_start3A_249 = arith.constant 0 : i32
        %dma_start3A_250 = arith.constant 0 : i32
        %dma_start3A_251 = tpu.memref_slice %arg11[%dma_start3A_249, %dma_start3A_250] : memref<10112x128xf32, #tpu.memory_space<vmem_shared>> -> memref<10112x128xf32, #tpu.memory_space<vmem_shared>>
        tpu.enqueue_indirect_dma source(%arg9 : memref<128x128xf32, #tpu.memory_space<vmem>>) target(%dma_start3A_251 : memref<10112x128xf32, #tpu.memory_space<vmem_shared>>) offsets(%dma_start3A_248 : memref<128xi32, #tpu.memory_space<vmem>>) semaphore(%run_scoped3A_245 : memref<!tpu.dma_semaphore, #tpu.memory_space<semaphore_mem>>) {add = true}
        %dma_wait3A_252 = arith.constant 0 : i32
        %dma_wait3A_253 = tpu.memref_slice %arg8[%add3A_216, %dma_wait3A_252] : memref<48x128xi32, #tpu.memory_space<vmem>> -> memref<1x128xi32, #tpu.memory_space<vmem>>
        %dma_wait3A_254 = tpu.memref_squeeze %dma_wait3A_253 : memref<1x128xi32, #tpu.memory_space<vmem>> -> memref<128xi32, #tpu.memory_space<vmem>>
        %dma_wait3A_255 = arith.constant 0 : i32
        %dma_wait3A_256 = arith.constant 0 : i32
        %dma_wait3A_257 = tpu.memref_slice %arg11[%dma_wait3A_255, %dma_wait3A_256] : memref<10112x128xf32, #tpu.memory_space<vmem_shared>> -> memref<10112x128xf32, #tpu.memory_space<vmem_shared>>
        tpu.wait_indirect_dma semaphore(%run_scoped3A_245 : memref<!tpu.dma_semaphore, #tpu.memory_space<semaphore_mem>>) src(%arg9 : memref<128x128xf32, #tpu.memory_space<vmem>>) dst(%dma_wait3A_257 : memref<10112x128xf32, #tpu.memory_space<vmem_shared>>)
        tpu.yield
      }) : () -> ()
      %add3A_217 = arith.constant 2 : i32
      %add3A_218 = arith.addi %mul3A_208, %add3A_217 : i32
      %add3A_219 = arith.constant 0 : i32
      %add3A_220 = arith.addi %add3A_218, %add3A_219 : i32
      %dma_start3A_221 = arith.constant 0 : i32
      %dma_start3A_222 = tpu.memref_slice %arg7[%add3A_220, %dma_start3A_221] : memref<48x128xi32, #tpu.memory_space<vmem>> -> memref<1x128xi32, #tpu.memory_space<vmem>>
      %dma_start3A_223 = tpu.memref_squeeze %dma_start3A_222 : memref<1x128xi32, #tpu.memory_space<vmem>> -> memref<128xi32, #tpu.memory_space<vmem>>
      %dma_start3A_224 = arith.constant 0 : i32
      %dma_start3A_225 = arith.constant 0 : i32
      %dma_start3A_226 = tpu.memref_slice %arg2[%dma_start3A_224, %dma_start3A_225] : memref<10000x128xf32, #tpu.memory_space<hbm>> -> memref<10000x128xf32, #tpu.memory_space<hbm>>
      tpu.enqueue_indirect_dma source(%dma_start3A_226 : memref<10000x128xf32, #tpu.memory_space<hbm>>) target(%arg9 : memref<128x128xf32, #tpu.memory_space<vmem>>) offsets(%dma_start3A_223 : memref<128xi32, #tpu.memory_space<vmem>>) semaphore(%arg12 : memref<!tpu.dma_semaphore, #tpu.memory_space<semaphore_mem>>)
      %dma_wait3A_227 = arith.constant 0 : i32
      %dma_wait3A_228 = arith.constant 0 : i32
      %dma_wait3A_229 = tpu.memref_slice %arg5[%dma_wait3A_227, %dma_wait3A_228] : memref<10112x128xf32, #tpu.memory_space<hbm>> -> memref<128x128xf32, #tpu.memory_space<hbm>>
      %dma_wait3A_230 = arith.constant 0 : i32
      %dma_wait3A_231 = arith.constant 0 : i32
      %dma_wait3A_232 = tpu.memref_slice %arg5[%dma_wait3A_230, %dma_wait3A_231] : memref<10112x128xf32, #tpu.memory_space<hbm>> -> memref<128x128xf32, #tpu.memory_space<hbm>>
      tpu.wait_dma2 semaphore(%arg13 : memref<!tpu.dma_semaphore, #tpu.memory_space<semaphore_mem>>) src(%dma_wait3A_232 : memref<128x128xf32, #tpu.memory_space<hbm>>) dst(%arg10 : memref<128x128xf32, #tpu.memory_space<vmem>>)
      %add3A_233 = arith.constant 1 : i32
      %add3A_234 = arith.addi %mul3A_208, %add3A_233 : i32
      "tpu.region"() ({
        %run_scoped3A_245 = tpu.sem_alloc : memref<!tpu.dma_semaphore, #tpu.memory_space<semaphore_mem>>
        %dma_start3A_246 = arith.constant 0 : i32
        %dma_start3A_247 = tpu.memref_slice %arg8[%add3A_234, %dma_start3A_246] : memref<48x128xi32, #tpu.memory_space<vmem>> -> memref<1x128xi32, #tpu.memory_space<vmem>>
        %dma_start3A_248 = tpu.memref_squeeze %dma_start3A_247 : memref<1x128xi32, #tpu.memory_space<vmem>> -> memref<128xi32, #tpu.memory_space<vmem>>
        %dma_start3A_249 = arith.constant 0 : i32
        %dma_start3A_250 = arith.constant 0 : i32
        %dma_start3A_251 = tpu.memref_slice %arg11[%dma_start3A_249, %dma_start3A_250] : memref<10112x128xf32, #tpu.memory_space<vmem_shared>> -> memref<10112x128xf32, #tpu.memory_space<vmem_shared>>
        tpu.enqueue_indirect_dma source(%arg10 : memref<128x128xf32, #tpu.memory_space<vmem>>) target(%dma_start3A_251 : memref<10112x128xf32, #tpu.memory_space<vmem_shared>>) offsets(%dma_start3A_248 : memref<128xi32, #tpu.memory_space<vmem>>) semaphore(%run_scoped3A_245 : memref<!tpu.dma_semaphore, #tpu.memory_space<semaphore_mem>>) {add = true}
        %dma_wait3A_252 = arith.constant 0 : i32
        %dma_wait3A_253 = tpu.memref_slice %arg8[%add3A_234, %dma_wait3A_252] : memref<48x128xi32, #tpu.memory_space<vmem>> -> memref<1x128xi32, #tpu.memory_space<vmem>>
        %dma_wait3A_254 = tpu.memref_squeeze %dma_wait3A_253 : memref<1x128xi32, #tpu.memory_space<vmem>> -> memref<128xi32, #tpu.memory_space<vmem>>
        %dma_wait3A_255 = arith.constant 0 : i32
        %dma_wait3A_256 = arith.constant 0 : i32
        %dma_wait3A_257 = tpu.memref_slice %arg11[%dma_wait3A_255, %dma_wait3A_256] : memref<10112x128xf32, #tpu.memory_space<vmem_shared>> -> memref<10112x128xf32, #tpu.memory_space<vmem_shared>>
        tpu.wait_indirect_dma semaphore(%run_scoped3A_245 : memref<!tpu.dma_semaphore, #tpu.memory_space<semaphore_mem>>) src(%arg10 : memref<128x128xf32, #tpu.memory_space<vmem>>) dst(%dma_wait3A_257 : memref<10112x128xf32, #tpu.memory_space<vmem_shared>>)
        tpu.yield
      }) : () -> ()
      %add3A_235 = arith.constant 2 : i32
      %add3A_236 = arith.addi %mul3A_208, %add3A_235 : i32
      %add3A_237 = arith.constant 1 : i32
      %add3A_238 = arith.addi %add3A_236, %add3A_237 : i32
      %dma_start3A_239 = arith.constant 0 : i32
      %dma_start3A_240 = tpu.memref_slice %arg7[%add3A_238, %dma_start3A_239] : memref<48x128xi32, #tpu.memory_space<vmem>> -> memref<1x128xi32, #tpu.memory_space<vmem>>
      %dma_start3A_241 = tpu.memref_squeeze %dma_start3A_240 : memref<1x128xi32, #tpu.memory_space<vmem>> -> memref<128xi32, #tpu.memory_space<vmem>>
      %dma_start3A_242 = arith.constant 0 : i32
      %dma_start3A_243 = arith.constant 0 : i32
      %dma_start3A_244 = tpu.memref_slice %arg2[%dma_start3A_242, %dma_start3A_243] : memref<10000x128xf32, #tpu.memory_space<hbm>> -> memref<10000x128xf32, #tpu.memory_space<hbm>>
      tpu.enqueue_indirect_dma source(%dma_start3A_244 : memref<10000x128xf32, #tpu.memory_space<hbm>>) target(%arg10 : memref<128x128xf32, #tpu.memory_space<vmem>>) offsets(%dma_start3A_241 : memref<128xi32, #tpu.memory_space<vmem>>) semaphore(%arg13 : memref<!tpu.dma_semaphore, #tpu.memory_space<semaphore_mem>>)
    }
    %scan3A_119 = arith.constant 20 : i32
    %dma_wait3A_120 = arith.constant 0 : i32
    %dma_wait3A_121 = arith.constant 0 : i32
    %dma_wait3A_122 = tpu.memref_slice %arg5[%dma_wait3A_120, %dma_wait3A_121] : memref<10112x128xf32, #tpu.memory_space<hbm>> -> memref<128x128xf32, #tpu.memory_space<hbm>>
    %dma_wait3A_123 = arith.constant 0 : i32
    %dma_wait3A_124 = arith.constant 0 : i32
    %dma_wait3A_125 = tpu.memref_slice %arg5[%dma_wait3A_123, %dma_wait3A_124] : memref<10112x128xf32, #tpu.memory_space<hbm>> -> memref<128x128xf32, #tpu.memory_space<hbm>>
    tpu.wait_dma2 semaphore(%arg12 : memref<!tpu.dma_semaphore, #tpu.memory_space<semaphore_mem>>) src(%dma_wait3A_125 : memref<128x128xf32, #tpu.memory_space<hbm>>) dst(%arg9 : memref<128x128xf32, #tpu.memory_space<vmem>>)
    %dma_wait3A_126 = arith.constant 0 : i32
    %dma_wait3A_127 = arith.constant 0 : i32
    %dma_wait3A_128 = tpu.memref_slice %arg5[%dma_wait3A_126, %dma_wait3A_127] : memref<10112x128xf32, #tpu.memory_space<hbm>> -> memref<128x128xf32, #tpu.memory_space<hbm>>
    %dma_wait3A_129 = arith.constant 0 : i32
    %dma_wait3A_130 = arith.constant 0 : i32
    %dma_wait3A_131 = tpu.memref_slice %arg5[%dma_wait3A_129, %dma_wait3A_130] : memref<10112x128xf32, #tpu.memory_space<hbm>> -> memref<128x128xf32, #tpu.memory_space<hbm>>
    tpu.wait_dma2 semaphore(%arg13 : memref<!tpu.dma_semaphore, #tpu.memory_space<semaphore_mem>>) src(%dma_wait3A_131 : memref<128x128xf32, #tpu.memory_space<hbm>>) dst(%arg10 : memref<128x128xf32, #tpu.memory_space<vmem>>)
    %barrier3A_132 = arith.constant 0 : index
    tpu.barrier barrier_id(%barrier3A_132)
    %run_scoped3A_133 = arith.constant 1 : i32
    "tpu.region"() ({
      %run_scoped3A_203 = tpu.sem_alloc : memref<!tpu.dma_semaphore, #tpu.memory_space<semaphore_mem>>
      %dma_start3A_204 = arith.constant 0 : i32
      %dma_start3A_205 = tpu.memref_slice %arg6[%run_scoped3A_133, %arg0, %mul3A_0, %dma_start3A_204] : memref<3x2x10112x128xf32, #tpu.memory_space<hbm>> -> memref<1x1x632x128xf32, #tpu.memory_space<hbm>>
      %dma_start3A_206 = tpu.memref_squeeze %dma_start3A_205 : memref<1x1x632x128xf32, #tpu.memory_space<hbm>> -> memref<632x128xf32, #tpu.memory_space<hbm>>
      %dma_start3A_207 = arith.constant 0 : i32
      %dma_start3A_208 = tpu.memref_slice %arg11[%mul3A_0, %dma_start3A_207] : memref<10112x128xf32, #tpu.memory_space<vmem_shared>> -> memref<632x128xf32, #tpu.memory_space<vmem_shared>>
      tpu.enqueue_dma source(%dma_start3A_208 : memref<632x128xf32, #tpu.memory_space<vmem_shared>>) target(%dma_start3A_206 : memref<632x128xf32, #tpu.memory_space<hbm>>) target_semaphore(%run_scoped3A_203 : memref<!tpu.dma_semaphore, #tpu.memory_space<semaphore_mem>>)
      %dma_wait3A_209 = arith.constant 0 : i32
      %dma_wait3A_210 = tpu.memref_slice %arg6[%run_scoped3A_133, %arg0, %mul3A_0, %dma_wait3A_209] : memref<3x2x10112x128xf32, #tpu.memory_space<hbm>> -> memref<1x1x632x128xf32, #tpu.memory_space<hbm>>
      %dma_wait3A_211 = tpu.memref_squeeze %dma_wait3A_210 : memref<1x1x632x128xf32, #tpu.memory_space<hbm>> -> memref<632x128xf32, #tpu.memory_space<hbm>>
      %dma_wait3A_212 = arith.constant 0 : i32
      %dma_wait3A_213 = tpu.memref_slice %arg11[%mul3A_0, %dma_wait3A_212] : memref<10112x128xf32, #tpu.memory_space<vmem_shared>> -> memref<632x128xf32, #tpu.memory_space<vmem_shared>>
      tpu.wait_dma2 semaphore(%run_scoped3A_203 : memref<!tpu.dma_semaphore, #tpu.memory_space<semaphore_mem>>) src(%dma_wait3A_213 : memref<632x128xf32, #tpu.memory_space<vmem_shared>>) dst(%dma_wait3A_211 : memref<632x128xf32, #tpu.memory_space<hbm>>)
      tpu.yield
    }) : () -> ()
    "tpu.region"() ({
      %run_scoped3A_203 = tpu.sem_alloc : memref<!tpu.dma_semaphore, #tpu.memory_space<semaphore_mem>>
      %dma_start3A_204 = arith.constant 0 : i32
      %dma_start3A_205 = tpu.memref_slice %arg11[%mul3A_0, %dma_start3A_204] : memref<10112x128xf32, #tpu.memory_space<vmem_shared>> -> memref<632x128xf32, #tpu.memory_space<vmem_shared>>
      %dma_start3A_206 = arith.constant 0 : i32
      %dma_start3A_207 = tpu.memref_slice %arg5[%mul3A_0, %dma_start3A_206] : memref<10112x128xf32, #tpu.memory_space<hbm>> -> memref<632x128xf32, #tpu.memory_space<hbm>>
      tpu.enqueue_dma source(%dma_start3A_207 : memref<632x128xf32, #tpu.memory_space<hbm>>) target(%dma_start3A_205 : memref<632x128xf32, #tpu.memory_space<vmem_shared>>) target_semaphore(%run_scoped3A_203 : memref<!tpu.dma_semaphore, #tpu.memory_space<semaphore_mem>>)
      %dma_wait3A_208 = arith.constant 0 : i32
      %dma_wait3A_209 = tpu.memref_slice %arg11[%mul3A_0, %dma_wait3A_208] : memref<10112x128xf32, #tpu.memory_space<vmem_shared>> -> memref<632x128xf32, #tpu.memory_space<vmem_shared>>
      %dma_wait3A_210 = arith.constant 0 : i32
      %dma_wait3A_211 = tpu.memref_slice %arg5[%mul3A_0, %dma_wait3A_210] : memref<10112x128xf32, #tpu.memory_space<hbm>> -> memref<632x128xf32, #tpu.memory_space<hbm>>
      tpu.wait_dma2 semaphore(%run_scoped3A_203 : memref<!tpu.dma_semaphore, #tpu.memory_space<semaphore_mem>>) src(%dma_wait3A_211 : memref<632x128xf32, #tpu.memory_space<hbm>>) dst(%dma_wait3A_209 : memref<632x128xf32, #tpu.memory_space<vmem_shared>>)
      tpu.yield
    }) : () -> ()
    %barrier3A_134 = arith.constant 0 : index
    tpu.barrier barrier_id(%barrier3A_134)
    %run_scoped3A_135 = arith.constant 2 : i32
    "tpu.region"() ({
      %run_scoped3A_203 = tpu.sem_alloc : memref<!tpu.dma_semaphore, #tpu.memory_space<semaphore_mem>>
      %dma_start3A_204 = arith.constant 0 : i32
      %dma_start3A_205 = arith.constant 0 : i32
      %dma_start3A_206 = tpu.memref_slice %arg3[%run_scoped3A_135, %arg0, %arg1, %dma_start3A_204, %dma_start3A_205] : memref<3x2x16x88x128xi32, #tpu.memory_space<hbm>> -> memref<1x1x1x48x128xi32, #tpu.memory_space<hbm>>
      %dma_start3A_207 = tpu.memref_squeeze %dma_start3A_206 : memref<1x1x1x48x128xi32, #tpu.memory_space<hbm>> -> memref<48x128xi32, #tpu.memory_space<hbm>>
      %dma_start3A_208 = arith.constant 0 : i32
      %dma_start3A_209 = arith.constant 0 : i32
      %dma_start3A_210 = tpu.memref_slice %arg3[%run_scoped3A_135, %arg0, %arg1, %dma_start3A_208, %dma_start3A_209] : memref<3x2x16x88x128xi32, #tpu.memory_space<hbm>> -> memref<1x1x1x48x128xi32, #tpu.memory_space<hbm>>
      %dma_start3A_211 = tpu.memref_squeeze %dma_start3A_210 : memref<1x1x1x48x128xi32, #tpu.memory_space<hbm>> -> memref<48x128xi32, #tpu.memory_space<hbm>>
      tpu.enqueue_dma source(%dma_start3A_211 : memref<48x128xi32, #tpu.memory_space<hbm>>) target(%arg7 : memref<48x128xi32, #tpu.memory_space<vmem>>) target_semaphore(%run_scoped3A_203 : memref<!tpu.dma_semaphore, #tpu.memory_space<semaphore_mem>>)
      %dma_wait3A_212 = arith.constant 0 : i32
      %dma_wait3A_213 = arith.constant 0 : i32
      %dma_wait3A_214 = tpu.memref_slice %arg3[%run_scoped3A_135, %arg0, %arg1, %dma_wait3A_212, %dma_wait3A_213] : memref<3x2x16x88x128xi32, #tpu.memory_space<hbm>> -> memref<1x1x1x48x128xi32, #tpu.memory_space<hbm>>
      %dma_wait3A_215 = tpu.memref_squeeze %dma_wait3A_214 : memref<1x1x1x48x128xi32, #tpu.memory_space<hbm>> -> memref<48x128xi32, #tpu.memory_space<hbm>>
      %dma_wait3A_216 = arith.constant 0 : i32
      %dma_wait3A_217 = arith.constant 0 : i32
      %dma_wait3A_218 = tpu.memref_slice %arg3[%run_scoped3A_135, %arg0, %arg1, %dma_wait3A_216, %dma_wait3A_217] : memref<3x2x16x88x128xi32, #tpu.memory_space<hbm>> -> memref<1x1x1x48x128xi32, #tpu.memory_space<hbm>>
      %dma_wait3A_219 = tpu.memref_squeeze %dma_wait3A_218 : memref<1x1x1x48x128xi32, #tpu.memory_space<hbm>> -> memref<48x128xi32, #tpu.memory_space<hbm>>
      tpu.wait_dma2 semaphore(%run_scoped3A_203 : memref<!tpu.dma_semaphore, #tpu.memory_space<semaphore_mem>>) src(%dma_wait3A_219 : memref<48x128xi32, #tpu.memory_space<hbm>>) dst(%arg7 : memref<48x128xi32, #tpu.memory_space<vmem>>)
      tpu.yield
    }) : () -> ()
    %run_scoped3A_136 = arith.constant 2 : i32
    "tpu.region"() ({
      %run_scoped3A_203 = tpu.sem_alloc : memref<!tpu.dma_semaphore, #tpu.memory_space<semaphore_mem>>
      %dma_start3A_204 = arith.constant 0 : i32
      %dma_start3A_205 = arith.constant 0 : i32
      %dma_start3A_206 = tpu.memref_slice %arg4[%run_scoped3A_136, %arg0, %arg1, %dma_start3A_204, %dma_start3A_205] : memref<3x2x16x88x128xi32, #tpu.memory_space<hbm>> -> memref<1x1x1x48x128xi32, #tpu.memory_space<hbm>>
      %dma_start3A_207 = tpu.memref_squeeze %dma_start3A_206 : memref<1x1x1x48x128xi32, #tpu.memory_space<hbm>> -> memref<48x128xi32, #tpu.memory_space<hbm>>
      %dma_start3A_208 = arith.constant 0 : i32
      %dma_start3A_209 = arith.constant 0 : i32
      %dma_start3A_210 = tpu.memref_slice %arg4[%run_scoped3A_136, %arg0, %arg1, %dma_start3A_208, %dma_start3A_209] : memref<3x2x16x88x128xi32, #tpu.memory_space<hbm>> -> memref<1x1x1x48x128xi32, #tpu.memory_space<hbm>>
      %dma_start3A_211 = tpu.memref_squeeze %dma_start3A_210 : memref<1x1x1x48x128xi32, #tpu.memory_space<hbm>> -> memref<48x128xi32, #tpu.memory_space<hbm>>
      tpu.enqueue_dma source(%dma_start3A_211 : memref<48x128xi32, #tpu.memory_space<hbm>>) target(%arg8 : memref<48x128xi32, #tpu.memory_space<vmem>>) target_semaphore(%run_scoped3A_203 : memref<!tpu.dma_semaphore, #tpu.memory_space<semaphore_mem>>)
      %dma_wait3A_212 = arith.constant 0 : i32
      %dma_wait3A_213 = arith.constant 0 : i32
      %dma_wait3A_214 = tpu.memref_slice %arg4[%run_scoped3A_136, %arg0, %arg1, %dma_wait3A_212, %dma_wait3A_213] : memref<3x2x16x88x128xi32, #tpu.memory_space<hbm>> -> memref<1x1x1x48x128xi32, #tpu.memory_space<hbm>>
      %dma_wait3A_215 = tpu.memref_squeeze %dma_wait3A_214 : memref<1x1x1x48x128xi32, #tpu.memory_space<hbm>> -> memref<48x128xi32, #tpu.memory_space<hbm>>
      %dma_wait3A_216 = arith.constant 0 : i32
      %dma_wait3A_217 = arith.constant 0 : i32
      %dma_wait3A_218 = tpu.memref_slice %arg4[%run_scoped3A_136, %arg0, %arg1, %dma_wait3A_216, %dma_wait3A_217] : memref<3x2x16x88x128xi32, #tpu.memory_space<hbm>> -> memref<1x1x1x48x128xi32, #tpu.memory_space<hbm>>
      %dma_wait3A_219 = tpu.memref_squeeze %dma_wait3A_218 : memref<1x1x1x48x128xi32, #tpu.memory_space<hbm>> -> memref<48x128xi32, #tpu.memory_space<hbm>>
      tpu.wait_dma2 semaphore(%run_scoped3A_203 : memref<!tpu.dma_semaphore, #tpu.memory_space<semaphore_mem>>) src(%dma_wait3A_219 : memref<48x128xi32, #tpu.memory_space<hbm>>) dst(%arg8 : memref<48x128xi32, #tpu.memory_space<vmem>>)
      tpu.yield
    }) : () -> ()
    %dma_start3A_137 = arith.constant 0 : i32
    %dma_start3A_138 = arith.constant 0 : i32
    %dma_start3A_139 = tpu.memref_slice %arg7[%dma_start3A_137, %dma_start3A_138] : memref<48x128xi32, #tpu.memory_space<vmem>> -> memref<1x128xi32, #tpu.memory_space<vmem>>
    %dma_start3A_140 = tpu.memref_squeeze %dma_start3A_139 : memref<1x128xi32, #tpu.memory_space<vmem>> -> memref<128xi32, #tpu.memory_space<vmem>>
    %dma_start3A_141 = arith.constant 0 : i32
    %dma_start3A_142 = arith.constant 0 : i32
    %dma_start3A_143 = tpu.memref_slice %arg2[%dma_start3A_141, %dma_start3A_142] : memref<10000x128xf32, #tpu.memory_space<hbm>> -> memref<10000x128xf32, #tpu.memory_space<hbm>>
    tpu.enqueue_indirect_dma source(%dma_start3A_143 : memref<10000x128xf32, #tpu.memory_space<hbm>>) target(%arg9 : memref<128x128xf32, #tpu.memory_space<vmem>>) offsets(%dma_start3A_140 : memref<128xi32, #tpu.memory_space<vmem>>) semaphore(%arg12 : memref<!tpu.dma_semaphore, #tpu.memory_space<semaphore_mem>>)
    %dma_start3A_144 = arith.constant 1 : i32
    %dma_start3A_145 = arith.constant 0 : i32
    %dma_start3A_146 = tpu.memref_slice %arg7[%dma_start3A_144, %dma_start3A_145] : memref<48x128xi32, #tpu.memory_space<vmem>> -> memref<1x128xi32, #tpu.memory_space<vmem>>
    %dma_start3A_147 = tpu.memref_squeeze %dma_start3A_146 : memref<1x128xi32, #tpu.memory_space<vmem>> -> memref<128xi32, #tpu.memory_space<vmem>>
    %dma_start3A_148 = arith.constant 0 : i32
    %dma_start3A_149 = arith.constant 0 : i32
    %dma_start3A_150 = tpu.memref_slice %arg2[%dma_start3A_148, %dma_start3A_149] : memref<10000x128xf32, #tpu.memory_space<hbm>> -> memref<10000x128xf32, #tpu.memory_space<hbm>>
    tpu.enqueue_indirect_dma source(%dma_start3A_150 : memref<10000x128xf32, #tpu.memory_space<hbm>>) target(%arg10 : memref<128x128xf32, #tpu.memory_space<vmem>>) offsets(%dma_start3A_147 : memref<128xi32, #tpu.memory_space<vmem>>) semaphore(%arg13 : memref<!tpu.dma_semaphore, #tpu.memory_space<semaphore_mem>>)
    %scan3A_151 = arith.constant 0 : i32
    %scan3A_152 = arith.constant 20 : i32
    %scan3A_153 = arith.addi %scan3A_151, %scan3A_152 : i32
    %scan3A_154 = arith.constant 1 : i32
    scf.for %scan3A_203 = %scan3A_151 to %scan3A_153 step %scan3A_154  : i32 {
      %mul3A_204 = arith.constant 1 : i32
      %mul3A_205 = arith.muli %scan3A_203, %mul3A_204 : i32
      %add3A = arith.constant 0 : i32
      %add3A_206 = arith.addi %add3A, %mul3A_205 : i32
      %mul3A_207 = arith.constant 2 : i32
      %mul3A_208 = arith.muli %add3A_206, %mul3A_207 : i32
      %dma_wait3A_209 = arith.constant 0 : i32
      %dma_wait3A_210 = arith.constant 0 : i32
      %dma_wait3A_211 = tpu.memref_slice %arg5[%dma_wait3A_209, %dma_wait3A_210] : memref<10112x128xf32, #tpu.memory_space<hbm>> -> memref<128x128xf32, #tpu.memory_space<hbm>>
      %dma_wait3A_212 = arith.constant 0 : i32
      %dma_wait3A_213 = arith.constant 0 : i32
      %dma_wait3A_214 = tpu.memref_slice %arg5[%dma_wait3A_212, %dma_wait3A_213] : memref<10112x128xf32, #tpu.memory_space<hbm>> -> memref<128x128xf32, #tpu.memory_space<hbm>>
      tpu.wait_dma2 semaphore(%arg12 : memref<!tpu.dma_semaphore, #tpu.memory_space<semaphore_mem>>) src(%dma_wait3A_214 : memref<128x128xf32, #tpu.memory_space<hbm>>) dst(%arg9 : memref<128x128xf32, #tpu.memory_space<vmem>>)
      %add3A_215 = arith.constant 0 : i32
      %add3A_216 = arith.addi %mul3A_208, %add3A_215 : i32
      "tpu.region"() ({
        %run_scoped3A_245 = tpu.sem_alloc : memref<!tpu.dma_semaphore, #tpu.memory_space<semaphore_mem>>
        %dma_start3A_246 = arith.constant 0 : i32
        %dma_start3A_247 = tpu.memref_slice %arg8[%add3A_216, %dma_start3A_246] : memref<48x128xi32, #tpu.memory_space<vmem>> -> memref<1x128xi32, #tpu.memory_space<vmem>>
        %dma_start3A_248 = tpu.memref_squeeze %dma_start3A_247 : memref<1x128xi32, #tpu.memory_space<vmem>> -> memref<128xi32, #tpu.memory_space<vmem>>
        %dma_start3A_249 = arith.constant 0 : i32
        %dma_start3A_250 = arith.constant 0 : i32
        %dma_start3A_251 = tpu.memref_slice %arg11[%dma_start3A_249, %dma_start3A_250] : memref<10112x128xf32, #tpu.memory_space<vmem_shared>> -> memref<10112x128xf32, #tpu.memory_space<vmem_shared>>
        tpu.enqueue_indirect_dma source(%arg9 : memref<128x128xf32, #tpu.memory_space<vmem>>) target(%dma_start3A_251 : memref<10112x128xf32, #tpu.memory_space<vmem_shared>>) offsets(%dma_start3A_248 : memref<128xi32, #tpu.memory_space<vmem>>) semaphore(%run_scoped3A_245 : memref<!tpu.dma_semaphore, #tpu.memory_space<semaphore_mem>>) {add = true}
        %dma_wait3A_252 = arith.constant 0 : i32
        %dma_wait3A_253 = tpu.memref_slice %arg8[%add3A_216, %dma_wait3A_252] : memref<48x128xi32, #tpu.memory_space<vmem>> -> memref<1x128xi32, #tpu.memory_space<vmem>>
        %dma_wait3A_254 = tpu.memref_squeeze %dma_wait3A_253 : memref<1x128xi32, #tpu.memory_space<vmem>> -> memref<128xi32, #tpu.memory_space<vmem>>
        %dma_wait3A_255 = arith.constant 0 : i32
        %dma_wait3A_256 = arith.constant 0 : i32
        %dma_wait3A_257 = tpu.memref_slice %arg11[%dma_wait3A_255, %dma_wait3A_256] : memref<10112x128xf32, #tpu.memory_space<vmem_shared>> -> memref<10112x128xf32, #tpu.memory_space<vmem_shared>>
        tpu.wait_indirect_dma semaphore(%run_scoped3A_245 : memref<!tpu.dma_semaphore, #tpu.memory_space<semaphore_mem>>) src(%arg9 : memref<128x128xf32, #tpu.memory_space<vmem>>) dst(%dma_wait3A_257 : memref<10112x128xf32, #tpu.memory_space<vmem_shared>>)
        tpu.yield
      }) : () -> ()
      %add3A_217 = arith.constant 2 : i32
      %add3A_218 = arith.addi %mul3A_208, %add3A_217 : i32
      %add3A_219 = arith.constant 0 : i32
      %add3A_220 = arith.addi %add3A_218, %add3A_219 : i32
      %dma_start3A_221 = arith.constant 0 : i32
      %dma_start3A_222 = tpu.memref_slice %arg7[%add3A_220, %dma_start3A_221] : memref<48x128xi32, #tpu.memory_space<vmem>> -> memref<1x128xi32, #tpu.memory_space<vmem>>
      %dma_start3A_223 = tpu.memref_squeeze %dma_start3A_222 : memref<1x128xi32, #tpu.memory_space<vmem>> -> memref<128xi32, #tpu.memory_space<vmem>>
      %dma_start3A_224 = arith.constant 0 : i32
      %dma_start3A_225 = arith.constant 0 : i32
      %dma_start3A_226 = tpu.memref_slice %arg2[%dma_start3A_224, %dma_start3A_225] : memref<10000x128xf32, #tpu.memory_space<hbm>> -> memref<10000x128xf32, #tpu.memory_space<hbm>>
      tpu.enqueue_indirect_dma source(%dma_start3A_226 : memref<10000x128xf32, #tpu.memory_space<hbm>>) target(%arg9 : memref<128x128xf32, #tpu.memory_space<vmem>>) offsets(%dma_start3A_223 : memref<128xi32, #tpu.memory_space<vmem>>) semaphore(%arg12 : memref<!tpu.dma_semaphore, #tpu.memory_space<semaphore_mem>>)
      %dma_wait3A_227 = arith.constant 0 : i32
      %dma_wait3A_228 = arith.constant 0 : i32
      %dma_wait3A_229 = tpu.memref_slice %arg5[%dma_wait3A_227, %dma_wait3A_228] : memref<10112x128xf32, #tpu.memory_space<hbm>> -> memref<128x128xf32, #tpu.memory_space<hbm>>
      %dma_wait3A_230 = arith.constant 0 : i32
      %dma_wait3A_231 = arith.constant 0 : i32
      %dma_wait3A_232 = tpu.memref_slice %arg5[%dma_wait3A_230, %dma_wait3A_231] : memref<10112x128xf32, #tpu.memory_space<hbm>> -> memref<128x128xf32, #tpu.memory_space<hbm>>
      tpu.wait_dma2 semaphore(%arg13 : memref<!tpu.dma_semaphore, #tpu.memory_space<semaphore_mem>>) src(%dma_wait3A_232 : memref<128x128xf32, #tpu.memory_space<hbm>>) dst(%arg10 : memref<128x128xf32, #tpu.memory_space<vmem>>)
      %add3A_233 = arith.constant 1 : i32
      %add3A_234 = arith.addi %mul3A_208, %add3A_233 : i32
      "tpu.region"() ({
        %run_scoped3A_245 = tpu.sem_alloc : memref<!tpu.dma_semaphore, #tpu.memory_space<semaphore_mem>>
        %dma_start3A_246 = arith.constant 0 : i32
        %dma_start3A_247 = tpu.memref_slice %arg8[%add3A_234, %dma_start3A_246] : memref<48x128xi32, #tpu.memory_space<vmem>> -> memref<1x128xi32, #tpu.memory_space<vmem>>
        %dma_start3A_248 = tpu.memref_squeeze %dma_start3A_247 : memref<1x128xi32, #tpu.memory_space<vmem>> -> memref<128xi32, #tpu.memory_space<vmem>>
        %dma_start3A_249 = arith.constant 0 : i32
        %dma_start3A_250 = arith.constant 0 : i32
        %dma_start3A_251 = tpu.memref_slice %arg11[%dma_start3A_249, %dma_start3A_250] : memref<10112x128xf32, #tpu.memory_space<vmem_shared>> -> memref<10112x128xf32, #tpu.memory_space<vmem_shared>>
        tpu.enqueue_indirect_dma source(%arg10 : memref<128x128xf32, #tpu.memory_space<vmem>>) target(%dma_start3A_251 : memref<10112x128xf32, #tpu.memory_space<vmem_shared>>) offsets(%dma_start3A_248 : memref<128xi32, #tpu.memory_space<vmem>>) semaphore(%run_scoped3A_245 : memref<!tpu.dma_semaphore, #tpu.memory_space<semaphore_mem>>) {add = true}
        %dma_wait3A_252 = arith.constant 0 : i32
        %dma_wait3A_253 = tpu.memref_slice %arg8[%add3A_234, %dma_wait3A_252] : memref<48x128xi32, #tpu.memory_space<vmem>> -> memref<1x128xi32, #tpu.memory_space<vmem>>
        %dma_wait3A_254 = tpu.memref_squeeze %dma_wait3A_253 : memref<1x128xi32, #tpu.memory_space<vmem>> -> memref<128xi32, #tpu.memory_space<vmem>>
        %dma_wait3A_255 = arith.constant 0 : i32
        %dma_wait3A_256 = arith.constant 0 : i32
        %dma_wait3A_257 = tpu.memref_slice %arg11[%dma_wait3A_255, %dma_wait3A_256] : memref<10112x128xf32, #tpu.memory_space<vmem_shared>> -> memref<10112x128xf32, #tpu.memory_space<vmem_shared>>
        tpu.wait_indirect_dma semaphore(%run_scoped3A_245 : memref<!tpu.dma_semaphore, #tpu.memory_space<semaphore_mem>>) src(%arg10 : memref<128x128xf32, #tpu.memory_space<vmem>>) dst(%dma_wait3A_257 : memref<10112x128xf32, #tpu.memory_space<vmem_shared>>)
        tpu.yield
      }) : () -> ()
      %add3A_235 = arith.constant 2 : i32
      %add3A_236 = arith.addi %mul3A_208, %add3A_235 : i32
      %add3A_237 = arith.constant 1 : i32
      %add3A_238 = arith.addi %add3A_236, %add3A_237 : i32
      %dma_start3A_239 = arith.constant 0 : i32
      %dma_start3A_240 = tpu.memref_slice %arg7[%add3A_238, %dma_start3A_239] : memref<48x128xi32, #tpu.memory_space<vmem>> -> memref<1x128xi32, #tpu.memory_space<vmem>>
      %dma_start3A_241 = tpu.memref_squeeze %dma_start3A_240 : memref<1x128xi32, #tpu.memory_space<vmem>> -> memref<128xi32, #tpu.memory_space<vmem>>
      %dma_start3A_242 = arith.constant 0 : i32
      %dma_start3A_243 = arith.constant 0 : i32
      %dma_start3A_244 = tpu.memref_slice %arg2[%dma_start3A_242, %dma_start3A_243] : memref<10000x128xf32, #tpu.memory_space<hbm>> -> memref<10000x128xf32, #tpu.memory_space<hbm>>
      tpu.enqueue_indirect_dma source(%dma_start3A_244 : memref<10000x128xf32, #tpu.memory_space<hbm>>) target(%arg10 : memref<128x128xf32, #tpu.memory_space<vmem>>) offsets(%dma_start3A_241 : memref<128xi32, #tpu.memory_space<vmem>>) semaphore(%arg13 : memref<!tpu.dma_semaphore, #tpu.memory_space<semaphore_mem>>)
    }
    %scan3A_155 = arith.constant 20 : i32
    %dma_wait3A_156 = arith.constant 0 : i32
    %dma_wait3A_157 = arith.constant 0 : i32
    %dma_wait3A_158 = tpu.memref_slice %arg5[%dma_wait3A_156, %dma_wait3A_157] : memref<10112x128xf32, #tpu.memory_space<hbm>> -> memref<128x128xf32, #tpu.memory_space<hbm>>
    %dma_wait3A_159 = arith.constant 0 : i32
    %dma_wait3A_160 = arith.constant 0 : i32
    %dma_wait3A_161 = tpu.memref_slice %arg5[%dma_wait3A_159, %dma_wait3A_160] : memref<10112x128xf32, #tpu.memory_space<hbm>> -> memref<128x128xf32, #tpu.memory_space<hbm>>
    tpu.wait_dma2 semaphore(%arg12 : memref<!tpu.dma_semaphore, #tpu.memory_space<semaphore_mem>>) src(%dma_wait3A_161 : memref<128x128xf32, #tpu.memory_space<hbm>>) dst(%arg9 : memref<128x128xf32, #tpu.memory_space<vmem>>)
    %dma_wait3A_162 = arith.constant 0 : i32
    %dma_wait3A_163 = arith.constant 0 : i32
    %dma_wait3A_164 = tpu.memref_slice %arg5[%dma_wait3A_162, %dma_wait3A_163] : memref<10112x128xf32, #tpu.memory_space<hbm>> -> memref<128x128xf32, #tpu.memory_space<hbm>>
    %dma_wait3A_165 = arith.constant 0 : i32
    %dma_wait3A_166 = arith.constant 0 : i32
    %dma_wait3A_167 = tpu.memref_slice %arg5[%dma_wait3A_165, %dma_wait3A_166] : memref<10112x128xf32, #tpu.memory_space<hbm>> -> memref<128x128xf32, #tpu.memory_space<hbm>>
    tpu.wait_dma2 semaphore(%arg13 : memref<!tpu.dma_semaphore, #tpu.memory_space<semaphore_mem>>) src(%dma_wait3A_167 : memref<128x128xf32, #tpu.memory_space<hbm>>) dst(%arg10 : memref<128x128xf32, #tpu.memory_space<vmem>>)
    %run_scoped3A_168 = arith.constant 2 : i32
    "tpu.region"() ({
      %run_scoped3A_203 = tpu.sem_alloc : memref<!tpu.dma_semaphore, #tpu.memory_space<semaphore_mem>>
      %dma_start3A_204 = arith.constant 40 : i32
      %dma_start3A_205 = arith.constant 0 : i32
      %dma_start3A_206 = tpu.memref_slice %arg3[%run_scoped3A_168, %arg0, %arg1, %dma_start3A_204, %dma_start3A_205] : memref<3x2x16x88x128xi32, #tpu.memory_space<hbm>> -> memref<1x1x1x48x128xi32, #tpu.memory_space<hbm>>
      %dma_start3A_207 = tpu.memref_squeeze %dma_start3A_206 : memref<1x1x1x48x128xi32, #tpu.memory_space<hbm>> -> memref<48x128xi32, #tpu.memory_space<hbm>>
      %dma_start3A_208 = arith.constant 40 : i32
      %dma_start3A_209 = arith.constant 0 : i32
      %dma_start3A_210 = tpu.memref_slice %arg3[%run_scoped3A_168, %arg0, %arg1, %dma_start3A_208, %dma_start3A_209] : memref<3x2x16x88x128xi32, #tpu.memory_space<hbm>> -> memref<1x1x1x48x128xi32, #tpu.memory_space<hbm>>
      %dma_start3A_211 = tpu.memref_squeeze %dma_start3A_210 : memref<1x1x1x48x128xi32, #tpu.memory_space<hbm>> -> memref<48x128xi32, #tpu.memory_space<hbm>>
      tpu.enqueue_dma source(%dma_start3A_211 : memref<48x128xi32, #tpu.memory_space<hbm>>) target(%arg7 : memref<48x128xi32, #tpu.memory_space<vmem>>) target_semaphore(%run_scoped3A_203 : memref<!tpu.dma_semaphore, #tpu.memory_space<semaphore_mem>>)
      %dma_wait3A_212 = arith.constant 40 : i32
      %dma_wait3A_213 = arith.constant 0 : i32
      %dma_wait3A_214 = tpu.memref_slice %arg3[%run_scoped3A_168, %arg0, %arg1, %dma_wait3A_212, %dma_wait3A_213] : memref<3x2x16x88x128xi32, #tpu.memory_space<hbm>> -> memref<1x1x1x48x128xi32, #tpu.memory_space<hbm>>
      %dma_wait3A_215 = tpu.memref_squeeze %dma_wait3A_214 : memref<1x1x1x48x128xi32, #tpu.memory_space<hbm>> -> memref<48x128xi32, #tpu.memory_space<hbm>>
      %dma_wait3A_216 = arith.constant 40 : i32
      %dma_wait3A_217 = arith.constant 0 : i32
      %dma_wait3A_218 = tpu.memref_slice %arg3[%run_scoped3A_168, %arg0, %arg1, %dma_wait3A_216, %dma_wait3A_217] : memref<3x2x16x88x128xi32, #tpu.memory_space<hbm>> -> memref<1x1x1x48x128xi32, #tpu.memory_space<hbm>>
      %dma_wait3A_219 = tpu.memref_squeeze %dma_wait3A_218 : memref<1x1x1x48x128xi32, #tpu.memory_space<hbm>> -> memref<48x128xi32, #tpu.memory_space<hbm>>
      tpu.wait_dma2 semaphore(%run_scoped3A_203 : memref<!tpu.dma_semaphore, #tpu.memory_space<semaphore_mem>>) src(%dma_wait3A_219 : memref<48x128xi32, #tpu.memory_space<hbm>>) dst(%arg7 : memref<48x128xi32, #tpu.memory_space<vmem>>)
      tpu.yield
    }) : () -> ()
    %run_scoped3A_169 = arith.constant 2 : i32
    "tpu.region"() ({
      %run_scoped3A_203 = tpu.sem_alloc : memref<!tpu.dma_semaphore, #tpu.memory_space<semaphore_mem>>
      %dma_start3A_204 = arith.constant 40 : i32
      %dma_start3A_205 = arith.constant 0 : i32
      %dma_start3A_206 = tpu.memref_slice %arg4[%run_scoped3A_169, %arg0, %arg1, %dma_start3A_204, %dma_start3A_205] : memref<3x2x16x88x128xi32, #tpu.memory_space<hbm>> -> memref<1x1x1x48x128xi32, #tpu.memory_space<hbm>>
      %dma_start3A_207 = tpu.memref_squeeze %dma_start3A_206 : memref<1x1x1x48x128xi32, #tpu.memory_space<hbm>> -> memref<48x128xi32, #tpu.memory_space<hbm>>
      %dma_start3A_208 = arith.constant 40 : i32
      %dma_start3A_209 = arith.constant 0 : i32
      %dma_start3A_210 = tpu.memref_slice %arg4[%run_scoped3A_169, %arg0, %arg1, %dma_start3A_208, %dma_start3A_209] : memref<3x2x16x88x128xi32, #tpu.memory_space<hbm>> -> memref<1x1x1x48x128xi32, #tpu.memory_space<hbm>>
      %dma_start3A_211 = tpu.memref_squeeze %dma_start3A_210 : memref<1x1x1x48x128xi32, #tpu.memory_space<hbm>> -> memref<48x128xi32, #tpu.memory_space<hbm>>
      tpu.enqueue_dma source(%dma_start3A_211 : memref<48x128xi32, #tpu.memory_space<hbm>>) target(%arg8 : memref<48x128xi32, #tpu.memory_space<vmem>>) target_semaphore(%run_scoped3A_203 : memref<!tpu.dma_semaphore, #tpu.memory_space<semaphore_mem>>)
      %dma_wait3A_212 = arith.constant 40 : i32
      %dma_wait3A_213 = arith.constant 0 : i32
      %dma_wait3A_214 = tpu.memref_slice %arg4[%run_scoped3A_169, %arg0, %arg1, %dma_wait3A_212, %dma_wait3A_213] : memref<3x2x16x88x128xi32, #tpu.memory_space<hbm>> -> memref<1x1x1x48x128xi32, #tpu.memory_space<hbm>>
      %dma_wait3A_215 = tpu.memref_squeeze %dma_wait3A_214 : memref<1x1x1x48x128xi32, #tpu.memory_space<hbm>> -> memref<48x128xi32, #tpu.memory_space<hbm>>
      %dma_wait3A_216 = arith.constant 40 : i32
      %dma_wait3A_217 = arith.constant 0 : i32
      %dma_wait3A_218 = tpu.memref_slice %arg4[%run_scoped3A_169, %arg0, %arg1, %dma_wait3A_216, %dma_wait3A_217] : memref<3x2x16x88x128xi32, #tpu.memory_space<hbm>> -> memref<1x1x1x48x128xi32, #tpu.memory_space<hbm>>
      %dma_wait3A_219 = tpu.memref_squeeze %dma_wait3A_218 : memref<1x1x1x48x128xi32, #tpu.memory_space<hbm>> -> memref<48x128xi32, #tpu.memory_space<hbm>>
      tpu.wait_dma2 semaphore(%run_scoped3A_203 : memref<!tpu.dma_semaphore, #tpu.memory_space<semaphore_mem>>) src(%dma_wait3A_219 : memref<48x128xi32, #tpu.memory_space<hbm>>) dst(%arg8 : memref<48x128xi32, #tpu.memory_space<vmem>>)
      tpu.yield
    }) : () -> ()
    %dma_start3A_170 = arith.constant 0 : i32
    %dma_start3A_171 = arith.constant 0 : i32
    %dma_start3A_172 = tpu.memref_slice %arg7[%dma_start3A_170, %dma_start3A_171] : memref<48x128xi32, #tpu.memory_space<vmem>> -> memref<1x128xi32, #tpu.memory_space<vmem>>
    %dma_start3A_173 = tpu.memref_squeeze %dma_start3A_172 : memref<1x128xi32, #tpu.memory_space<vmem>> -> memref<128xi32, #tpu.memory_space<vmem>>
    %dma_start3A_174 = arith.constant 0 : i32
    %dma_start3A_175 = arith.constant 0 : i32
    %dma_start3A_176 = tpu.memref_slice %arg2[%dma_start3A_174, %dma_start3A_175] : memref<10000x128xf32, #tpu.memory_space<hbm>> -> memref<10000x128xf32, #tpu.memory_space<hbm>>
    tpu.enqueue_indirect_dma source(%dma_start3A_176 : memref<10000x128xf32, #tpu.memory_space<hbm>>) target(%arg9 : memref<128x128xf32, #tpu.memory_space<vmem>>) offsets(%dma_start3A_173 : memref<128xi32, #tpu.memory_space<vmem>>) semaphore(%arg12 : memref<!tpu.dma_semaphore, #tpu.memory_space<semaphore_mem>>)
    %dma_start3A_177 = arith.constant 1 : i32
    %dma_start3A_178 = arith.constant 0 : i32
    %dma_start3A_179 = tpu.memref_slice %arg7[%dma_start3A_177, %dma_start3A_178] : memref<48x128xi32, #tpu.memory_space<vmem>> -> memref<1x128xi32, #tpu.memory_space<vmem>>
    %dma_start3A_180 = tpu.memref_squeeze %dma_start3A_179 : memref<1x128xi32, #tpu.memory_space<vmem>> -> memref<128xi32, #tpu.memory_space<vmem>>
    %dma_start3A_181 = arith.constant 0 : i32
    %dma_start3A_182 = arith.constant 0 : i32
    %dma_start3A_183 = tpu.memref_slice %arg2[%dma_start3A_181, %dma_start3A_182] : memref<10000x128xf32, #tpu.memory_space<hbm>> -> memref<10000x128xf32, #tpu.memory_space<hbm>>
    tpu.enqueue_indirect_dma source(%dma_start3A_183 : memref<10000x128xf32, #tpu.memory_space<hbm>>) target(%arg10 : memref<128x128xf32, #tpu.memory_space<vmem>>) offsets(%dma_start3A_180 : memref<128xi32, #tpu.memory_space<vmem>>) semaphore(%arg13 : memref<!tpu.dma_semaphore, #tpu.memory_space<semaphore_mem>>)
    %scan3A_184 = arith.constant 0 : i32
    %scan3A_185 = arith.constant 20 : i32
    %scan3A_186 = arith.addi %scan3A_184, %scan3A_185 : i32
    %scan3A_187 = arith.constant 1 : i32
    scf.for %scan3A_203 = %scan3A_184 to %scan3A_186 step %scan3A_187  : i32 {
      %mul3A_204 = arith.constant 1 : i32
      %mul3A_205 = arith.muli %scan3A_203, %mul3A_204 : i32
      %add3A = arith.constant 0 : i32
      %add3A_206 = arith.addi %add3A, %mul3A_205 : i32
      %mul3A_207 = arith.constant 2 : i32
      %mul3A_208 = arith.muli %add3A_206, %mul3A_207 : i32
      %dma_wait3A_209 = arith.constant 0 : i32
      %dma_wait3A_210 = arith.constant 0 : i32
      %dma_wait3A_211 = tpu.memref_slice %arg5[%dma_wait3A_209, %dma_wait3A_210] : memref<10112x128xf32, #tpu.memory_space<hbm>> -> memref<128x128xf32, #tpu.memory_space<hbm>>
      %dma_wait3A_212 = arith.constant 0 : i32
      %dma_wait3A_213 = arith.constant 0 : i32
      %dma_wait3A_214 = tpu.memref_slice %arg5[%dma_wait3A_212, %dma_wait3A_213] : memref<10112x128xf32, #tpu.memory_space<hbm>> -> memref<128x128xf32, #tpu.memory_space<hbm>>
      tpu.wait_dma2 semaphore(%arg12 : memref<!tpu.dma_semaphore, #tpu.memory_space<semaphore_mem>>) src(%dma_wait3A_214 : memref<128x128xf32, #tpu.memory_space<hbm>>) dst(%arg9 : memref<128x128xf32, #tpu.memory_space<vmem>>)
      %add3A_215 = arith.constant 0 : i32
      %add3A_216 = arith.addi %mul3A_208, %add3A_215 : i32
      "tpu.region"() ({
        %run_scoped3A_245 = tpu.sem_alloc : memref<!tpu.dma_semaphore, #tpu.memory_space<semaphore_mem>>
        %dma_start3A_246 = arith.constant 0 : i32
        %dma_start3A_247 = tpu.memref_slice %arg8[%add3A_216, %dma_start3A_246] : memref<48x128xi32, #tpu.memory_space<vmem>> -> memref<1x128xi32, #tpu.memory_space<vmem>>
        %dma_start3A_248 = tpu.memref_squeeze %dma_start3A_247 : memref<1x128xi32, #tpu.memory_space<vmem>> -> memref<128xi32, #tpu.memory_space<vmem>>
        %dma_start3A_249 = arith.constant 0 : i32
        %dma_start3A_250 = arith.constant 0 : i32
        %dma_start3A_251 = tpu.memref_slice %arg11[%dma_start3A_249, %dma_start3A_250] : memref<10112x128xf32, #tpu.memory_space<vmem_shared>> -> memref<10112x128xf32, #tpu.memory_space<vmem_shared>>
        tpu.enqueue_indirect_dma source(%arg9 : memref<128x128xf32, #tpu.memory_space<vmem>>) target(%dma_start3A_251 : memref<10112x128xf32, #tpu.memory_space<vmem_shared>>) offsets(%dma_start3A_248 : memref<128xi32, #tpu.memory_space<vmem>>) semaphore(%run_scoped3A_245 : memref<!tpu.dma_semaphore, #tpu.memory_space<semaphore_mem>>) {add = true}
        %dma_wait3A_252 = arith.constant 0 : i32
        %dma_wait3A_253 = tpu.memref_slice %arg8[%add3A_216, %dma_wait3A_252] : memref<48x128xi32, #tpu.memory_space<vmem>> -> memref<1x128xi32, #tpu.memory_space<vmem>>
        %dma_wait3A_254 = tpu.memref_squeeze %dma_wait3A_253 : memref<1x128xi32, #tpu.memory_space<vmem>> -> memref<128xi32, #tpu.memory_space<vmem>>
        %dma_wait3A_255 = arith.constant 0 : i32
        %dma_wait3A_256 = arith.constant 0 : i32
        %dma_wait3A_257 = tpu.memref_slice %arg11[%dma_wait3A_255, %dma_wait3A_256] : memref<10112x128xf32, #tpu.memory_space<vmem_shared>> -> memref<10112x128xf32, #tpu.memory_space<vmem_shared>>
        tpu.wait_indirect_dma semaphore(%run_scoped3A_245 : memref<!tpu.dma_semaphore, #tpu.memory_space<semaphore_mem>>) src(%arg9 : memref<128x128xf32, #tpu.memory_space<vmem>>) dst(%dma_wait3A_257 : memref<10112x128xf32, #tpu.memory_space<vmem_shared>>)
        tpu.yield
      }) : () -> ()
      %add3A_217 = arith.constant 2 : i32
      %add3A_218 = arith.addi %mul3A_208, %add3A_217 : i32
      %add3A_219 = arith.constant 0 : i32
      %add3A_220 = arith.addi %add3A_218, %add3A_219 : i32
      %dma_start3A_221 = arith.constant 0 : i32
      %dma_start3A_222 = tpu.memref_slice %arg7[%add3A_220, %dma_start3A_221] : memref<48x128xi32, #tpu.memory_space<vmem>> -> memref<1x128xi32, #tpu.memory_space<vmem>>
      %dma_start3A_223 = tpu.memref_squeeze %dma_start3A_222 : memref<1x128xi32, #tpu.memory_space<vmem>> -> memref<128xi32, #tpu.memory_space<vmem>>
      %dma_start3A_224 = arith.constant 0 : i32
      %dma_start3A_225 = arith.constant 0 : i32
      %dma_start3A_226 = tpu.memref_slice %arg2[%dma_start3A_224, %dma_start3A_225] : memref<10000x128xf32, #tpu.memory_space<hbm>> -> memref<10000x128xf32, #tpu.memory_space<hbm>>
      tpu.enqueue_indirect_dma source(%dma_start3A_226 : memref<10000x128xf32, #tpu.memory_space<hbm>>) target(%arg9 : memref<128x128xf32, #tpu.memory_space<vmem>>) offsets(%dma_start3A_223 : memref<128xi32, #tpu.memory_space<vmem>>) semaphore(%arg12 : memref<!tpu.dma_semaphore, #tpu.memory_space<semaphore_mem>>)
      %dma_wait3A_227 = arith.constant 0 : i32
      %dma_wait3A_228 = arith.constant 0 : i32
      %dma_wait3A_229 = tpu.memref_slice %arg5[%dma_wait3A_227, %dma_wait3A_228] : memref<10112x128xf32, #tpu.memory_space<hbm>> -> memref<128x128xf32, #tpu.memory_space<hbm>>
      %dma_wait3A_230 = arith.constant 0 : i32
      %dma_wait3A_231 = arith.constant 0 : i32
      %dma_wait3A_232 = tpu.memref_slice %arg5[%dma_wait3A_230, %dma_wait3A_231] : memref<10112x128xf32, #tpu.memory_space<hbm>> -> memref<128x128xf32, #tpu.memory_space<hbm>>
      tpu.wait_dma2 semaphore(%arg13 : memref<!tpu.dma_semaphore, #tpu.memory_space<semaphore_mem>>) src(%dma_wait3A_232 : memref<128x128xf32, #tpu.memory_space<hbm>>) dst(%arg10 : memref<128x128xf32, #tpu.memory_space<vmem>>)
      %add3A_233 = arith.constant 1 : i32
      %add3A_234 = arith.addi %mul3A_208, %add3A_233 : i32
      "tpu.region"() ({
        %run_scoped3A_245 = tpu.sem_alloc : memref<!tpu.dma_semaphore, #tpu.memory_space<semaphore_mem>>
        %dma_start3A_246 = arith.constant 0 : i32
        %dma_start3A_247 = tpu.memref_slice %arg8[%add3A_234, %dma_start3A_246] : memref<48x128xi32, #tpu.memory_space<vmem>> -> memref<1x128xi32, #tpu.memory_space<vmem>>
        %dma_start3A_248 = tpu.memref_squeeze %dma_start3A_247 : memref<1x128xi32, #tpu.memory_space<vmem>> -> memref<128xi32, #tpu.memory_space<vmem>>
        %dma_start3A_249 = arith.constant 0 : i32
        %dma_start3A_250 = arith.constant 0 : i32
        %dma_start3A_251 = tpu.memref_slice %arg11[%dma_start3A_249, %dma_start3A_250] : memref<10112x128xf32, #tpu.memory_space<vmem_shared>> -> memref<10112x128xf32, #tpu.memory_space<vmem_shared>>
        tpu.enqueue_indirect_dma source(%arg10 : memref<128x128xf32, #tpu.memory_space<vmem>>) target(%dma_start3A_251 : memref<10112x128xf32, #tpu.memory_space<vmem_shared>>) offsets(%dma_start3A_248 : memref<128xi32, #tpu.memory_space<vmem>>) semaphore(%run_scoped3A_245 : memref<!tpu.dma_semaphore, #tpu.memory_space<semaphore_mem>>) {add = true}
        %dma_wait3A_252 = arith.constant 0 : i32
        %dma_wait3A_253 = tpu.memref_slice %arg8[%add3A_234, %dma_wait3A_252] : memref<48x128xi32, #tpu.memory_space<vmem>> -> memref<1x128xi32, #tpu.memory_space<vmem>>
        %dma_wait3A_254 = tpu.memref_squeeze %dma_wait3A_253 : memref<1x128xi32, #tpu.memory_space<vmem>> -> memref<128xi32, #tpu.memory_space<vmem>>
        %dma_wait3A_255 = arith.constant 0 : i32
        %dma_wait3A_256 = arith.constant 0 : i32
        %dma_wait3A_257 = tpu.memref_slice %arg11[%dma_wait3A_255, %dma_wait3A_256] : memref<10112x128xf32, #tpu.memory_space<vmem_shared>> -> memref<10112x128xf32, #tpu.memory_space<vmem_shared>>
        tpu.wait_indirect_dma semaphore(%run_scoped3A_245 : memref<!tpu.dma_semaphore, #tpu.memory_space<semaphore_mem>>) src(%arg10 : memref<128x128xf32, #tpu.memory_space<vmem>>) dst(%dma_wait3A_257 : memref<10112x128xf32, #tpu.memory_space<vmem_shared>>)
        tpu.yield
      }) : () -> ()
      %add3A_235 = arith.constant 2 : i32
      %add3A_236 = arith.addi %mul3A_208, %add3A_235 : i32
      %add3A_237 = arith.constant 1 : i32
      %add3A_238 = arith.addi %add3A_236, %add3A_237 : i32
      %dma_start3A_239 = arith.constant 0 : i32
      %dma_start3A_240 = tpu.memref_slice %arg7[%add3A_238, %dma_start3A_239] : memref<48x128xi32, #tpu.memory_space<vmem>> -> memref<1x128xi32, #tpu.memory_space<vmem>>
      %dma_start3A_241 = tpu.memref_squeeze %dma_start3A_240 : memref<1x128xi32, #tpu.memory_space<vmem>> -> memref<128xi32, #tpu.memory_space<vmem>>
      %dma_start3A_242 = arith.constant 0 : i32
      %dma_start3A_243 = arith.constant 0 : i32
      %dma_start3A_244 = tpu.memref_slice %arg2[%dma_start3A_242, %dma_start3A_243] : memref<10000x128xf32, #tpu.memory_space<hbm>> -> memref<10000x128xf32, #tpu.memory_space<hbm>>
      tpu.enqueue_indirect_dma source(%dma_start3A_244 : memref<10000x128xf32, #tpu.memory_space<hbm>>) target(%arg10 : memref<128x128xf32, #tpu.memory_space<vmem>>) offsets(%dma_start3A_241 : memref<128xi32, #tpu.memory_space<vmem>>) semaphore(%arg13 : memref<!tpu.dma_semaphore, #tpu.memory_space<semaphore_mem>>)
    }
    %scan3A_188 = arith.constant 20 : i32
    %dma_wait3A_189 = arith.constant 0 : i32
    %dma_wait3A_190 = arith.constant 0 : i32
    %dma_wait3A_191 = tpu.memref_slice %arg5[%dma_wait3A_189, %dma_wait3A_190] : memref<10112x128xf32, #tpu.memory_space<hbm>> -> memref<128x128xf32, #tpu.memory_space<hbm>>
    %dma_wait3A_192 = arith.constant 0 : i32
    %dma_wait3A_193 = arith.constant 0 : i32
    %dma_wait3A_194 = tpu.memref_slice %arg5[%dma_wait3A_192, %dma_wait3A_193] : memref<10112x128xf32, #tpu.memory_space<hbm>> -> memref<128x128xf32, #tpu.memory_space<hbm>>
    tpu.wait_dma2 semaphore(%arg12 : memref<!tpu.dma_semaphore, #tpu.memory_space<semaphore_mem>>) src(%dma_wait3A_194 : memref<128x128xf32, #tpu.memory_space<hbm>>) dst(%arg9 : memref<128x128xf32, #tpu.memory_space<vmem>>)
    %dma_wait3A_195 = arith.constant 0 : i32
    %dma_wait3A_196 = arith.constant 0 : i32
    %dma_wait3A_197 = tpu.memref_slice %arg5[%dma_wait3A_195, %dma_wait3A_196] : memref<10112x128xf32, #tpu.memory_space<hbm>> -> memref<128x128xf32, #tpu.memory_space<hbm>>
    %dma_wait3A_198 = arith.constant 0 : i32
    %dma_wait3A_199 = arith.constant 0 : i32
    %dma_wait3A_200 = tpu.memref_slice %arg5[%dma_wait3A_198, %dma_wait3A_199] : memref<10112x128xf32, #tpu.memory_space<hbm>> -> memref<128x128xf32, #tpu.memory_space<hbm>>
    tpu.wait_dma2 semaphore(%arg13 : memref<!tpu.dma_semaphore, #tpu.memory_space<semaphore_mem>>) src(%dma_wait3A_200 : memref<128x128xf32, #tpu.memory_space<hbm>>) dst(%arg10 : memref<128x128xf32, #tpu.memory_space<vmem>>)
    %barrier3A_201 = arith.constant 0 : index
    tpu.barrier barrier_id(%barrier3A_201)
    %run_scoped3A_202 = arith.constant 2 : i32
    "tpu.region"() ({
      %run_scoped3A_203 = tpu.sem_alloc : memref<!tpu.dma_semaphore, #tpu.memory_space<semaphore_mem>>
      %dma_start3A_204 = arith.constant 0 : i32
      %dma_start3A_205 = tpu.memref_slice %arg6[%run_scoped3A_202, %arg0, %mul3A_0, %dma_start3A_204] : memref<3x2x10112x128xf32, #tpu.memory_space<hbm>> -> memref<1x1x632x128xf32, #tpu.memory_space<hbm>>
      %dma_start3A_206 = tpu.memref_squeeze %dma_start3A_205 : memref<1x1x632x128xf32, #tpu.memory_space<hbm>> -> memref<632x128xf32, #tpu.memory_space<hbm>>
      %dma_start3A_207 = arith.constant 0 : i32
      %dma_start3A_208 = tpu.memref_slice %arg11[%mul3A_0, %dma_start3A_207] : memref<10112x128xf32, #tpu.memory_space<vmem_shared>> -> memref<632x128xf32, #tpu.memory_space<vmem_shared>>
      tpu.enqueue_dma source(%dma_start3A_208 : memref<632x128xf32, #tpu.memory_space<vmem_shared>>) target(%dma_start3A_206 : memref<632x128xf32, #tpu.memory_space<hbm>>) target_semaphore(%run_scoped3A_203 : memref<!tpu.dma_semaphore, #tpu.memory_space<semaphore_mem>>)
      %dma_wait3A_209 = arith.constant 0 : i32
      %dma_wait3A_210 = tpu.memref_slice %arg6[%run_scoped3A_202, %arg0, %mul3A_0, %dma_wait3A_209] : memref<3x2x10112x128xf32, #tpu.memory_space<hbm>> -> memref<1x1x632x128xf32, #tpu.memory_space<hbm>>
      %dma_wait3A_211 = tpu.memref_squeeze %dma_wait3A_210 : memref<1x1x632x128xf32, #tpu.memory_space<hbm>> -> memref<632x128xf32, #tpu.memory_space<hbm>>
      %dma_wait3A_212 = arith.constant 0 : i32
      %dma_wait3A_213 = tpu.memref_slice %arg11[%mul3A_0, %dma_wait3A_212] : memref<10112x128xf32, #tpu.memory_space<vmem_shared>> -> memref<632x128xf32, #tpu.memory_space<vmem_shared>>
      tpu.wait_dma2 semaphore(%run_scoped3A_203 : memref<!tpu.dma_semaphore, #tpu.memory_space<semaphore_mem>>) src(%dma_wait3A_213 : memref<632x128xf32, #tpu.memory_space<vmem_shared>>) dst(%dma_wait3A_211 : memref<632x128xf32, #tpu.memory_space<hbm>>)
      tpu.yield
    }) : () -> ()
    return
  }
}

module attributes {stable_mosaic.version = 14 : i64} {
  func.func @_x1_kernel(%arg0: i32, %arg1: memref<2000x128xf32, #tpu.memory_space<vmem>>, %arg2: memref<2000x128xf32, #tpu.memory_space<vmem>>, %arg3: memref<2000x128xf32, #tpu.memory_space<vmem>>, %arg4: memref<2000x128xf32, #tpu.memory_space<vmem>>, %arg5: memref<4x128x128xf32, #tpu.memory_space<vmem>>, %arg6: memref<4x128xf32, #tpu.memory_space<vmem>>, %arg7: memref<4x128x128xf32, #tpu.memory_space<vmem>>, %arg8: memref<4x128xf32, #tpu.memory_space<vmem>>, %arg9: memref<2000x128xf32, #tpu.memory_space<vmem>>) attributes {dimension_semantics = [#tpu.dimension_semantics<arbitrary>], iteration_bounds = array<i64: 5>, scalar_prefetch = 0 : i64, scratch_operands = 0 : i64, tpu.core_type = #tpu.core_type<tc>, window_params = [{transform_indices = @transform_0, window_bounds = array<i64: 2000, 128>}, {transform_indices = @transform_1, window_bounds = array<i64: 2000, 128>}, {transform_indices = @transform_2, window_bounds = array<i64: 2000, 128>}, {transform_indices = @transform_3, window_bounds = array<i64: 2000, 128>}, {pipeline_mode = #tpu.pipeline_mode<synchronous>, transform_indices = @transform_4, window_bounds = array<i64: 4, 128, 128>}, {pipeline_mode = #tpu.pipeline_mode<synchronous>, transform_indices = @transform_5, window_bounds = array<i64: 4, 128>}, {pipeline_mode = #tpu.pipeline_mode<synchronous>, transform_indices = @transform_6, window_bounds = array<i64: 4, 128, 128>}, {pipeline_mode = #tpu.pipeline_mode<synchronous>, transform_indices = @transform_7, window_bounds = array<i64: 4, 128>}, {transform_indices = @transform_8, window_bounds = array<i64: 2000, 128>}]} {
    %get3A = arith.constant 0 : index
    %get3A_0 = arith.constant 0 : index
    %get3A_1 = vector.load %arg1[%get3A, %get3A_0] : memref<2000x128xf32, #tpu.memory_space<vmem>>, vector<2000x128xf32>
    %get3A_2 = arith.constant 0 : index
    %get3A_3 = arith.constant 0 : index
    %get3A_4 = vector.load %arg2[%get3A_2, %get3A_3] : memref<2000x128xf32, #tpu.memory_space<vmem>>, vector<2000x128xf32>
    %get3A_5 = arith.constant 0 : index
    %get3A_6 = arith.constant 0 : index
    %get3A_7 = vector.load %arg3[%get3A_5, %get3A_6] : memref<2000x128xf32, #tpu.memory_space<vmem>>, vector<2000x128xf32>
    %get3A_8 = arith.constant 0 : index
    %get3A_9 = arith.constant 0 : index
    %get3A_10 = vector.load %arg4[%get3A_8, %get3A_9] : memref<2000x128xf32, #tpu.memory_space<vmem>>, vector<2000x128xf32>
    %broadcast_in_dim3A = arith.constant 0.000000e+00 : f32
    %broadcast_in_dim3A_11 = vector.broadcast %broadcast_in_dim3A : f32 to vector<2000x128xf32>
    %get3A_12 = arith.constant 0 : index
    %get3A_13 = arith.constant 0 : index
    %get3A_14 = arith.constant 0 : index
    %get3A_15 = vector.load %arg5[%get3A_12, %get3A_13, %get3A_14] : memref<4x128x128xf32, #tpu.memory_space<vmem>>, vector<1x128x128xf32>
    %get3A_16 = vector.shape_cast %get3A_15 : vector<1x128x128xf32> to vector<128x128xf32>
    %dot_general3A = arith.constant dense<0.000000e+00> : vector<2000x128xf32>
    %dot_general3A_17 = tpu.matmul %get3A_1, %get3A_16, %dot_general3A {dimension_numbers = #tpu.dot_dimension_numbers<[1], [0], [0], [1], [0, 0, 1, 1], [], []>, transpose_lhs_hint = false} : vector<2000x128xf32>, vector<128x128xf32>, vector<2000x128xf32> -> vector<2000x128xf32>
    %get3A_18 = arith.constant 0 : index
    %get3A_19 = arith.constant 0 : index
    %get3A_20 = vector.load %arg6[%get3A_18, %get3A_19] : memref<4x128xf32, #tpu.memory_space<vmem>>, vector<1x128xf32>
    %get3A_21 = vector.shape_cast %get3A_20 : vector<1x128xf32> to vector<128xf32>
    %broadcast_in_dim3A_22 = vector.shape_cast %get3A_21 : vector<128xf32> to vector<1x128xf32>
    %add3A = vector.broadcast %broadcast_in_dim3A_22 : vector<1x128xf32> to vector<2000x128xf32>
    %add3A_23 = arith.addf %dot_general3A_17, %add3A : vector<2000x128xf32>
    %max3A = arith.constant 0.000000e+00 : f32
    %max3A_24 = vector.broadcast %max3A : f32 to vector<2000x128xf32>
    %max3A_25 = arith.maximumf %add3A_23, %max3A_24 : vector<2000x128xf32>
    %get3A_26 = arith.constant 0 : index
    %get3A_27 = arith.constant 0 : index
    %get3A_28 = arith.constant 0 : index
    %get3A_29 = vector.load %arg7[%get3A_26, %get3A_27, %get3A_28] : memref<4x128x128xf32, #tpu.memory_space<vmem>>, vector<1x128x128xf32>
    %get3A_30 = vector.shape_cast %get3A_29 : vector<1x128x128xf32> to vector<128x128xf32>
    %dot_general3A_31 = arith.constant dense<0.000000e+00> : vector<2000x128xf32>
    %dot_general3A_32 = tpu.matmul %max3A_25, %get3A_30, %dot_general3A_31 {dimension_numbers = #tpu.dot_dimension_numbers<[1], [0], [0], [1], [0, 0, 1, 1], [], []>, transpose_lhs_hint = false} : vector<2000x128xf32>, vector<128x128xf32>, vector<2000x128xf32> -> vector<2000x128xf32>
    %add3A_33 = arith.addf %broadcast_in_dim3A_11, %dot_general3A_32 : vector<2000x128xf32>
    %get3A_34 = arith.constant 0 : index
    %get3A_35 = arith.constant 0 : index
    %get3A_36 = vector.load %arg8[%get3A_34, %get3A_35] : memref<4x128xf32, #tpu.memory_space<vmem>>, vector<1x128xf32>
    %get3A_37 = vector.shape_cast %get3A_36 : vector<1x128xf32> to vector<128xf32>
    %broadcast_in_dim3A_38 = vector.shape_cast %get3A_37 : vector<128xf32> to vector<1x128xf32>
    %add3A_39 = vector.broadcast %broadcast_in_dim3A_38 : vector<1x128xf32> to vector<2000x128xf32>
    %add3A_40 = arith.addf %add3A_33, %add3A_39 : vector<2000x128xf32>
    %get3A_41 = arith.constant 1 : index
    %get3A_42 = arith.constant 0 : index
    %get3A_43 = arith.constant 0 : index
    %get3A_44 = vector.load %arg5[%get3A_41, %get3A_42, %get3A_43] : memref<4x128x128xf32, #tpu.memory_space<vmem>>, vector<1x128x128xf32>
    %get3A_45 = vector.shape_cast %get3A_44 : vector<1x128x128xf32> to vector<128x128xf32>
    %dot_general3A_46 = arith.constant dense<0.000000e+00> : vector<2000x128xf32>
    %dot_general3A_47 = tpu.matmul %get3A_4, %get3A_45, %dot_general3A_46 {dimension_numbers = #tpu.dot_dimension_numbers<[1], [0], [0], [1], [0, 0, 1, 1], [], []>, transpose_lhs_hint = false} : vector<2000x128xf32>, vector<128x128xf32>, vector<2000x128xf32> -> vector<2000x128xf32>
    %get3A_48 = arith.constant 1 : index
    %get3A_49 = arith.constant 0 : index
    %get3A_50 = vector.load %arg6[%get3A_48, %get3A_49] : memref<4x128xf32, #tpu.memory_space<vmem>>, vector<1x128xf32>
    %get3A_51 = vector.shape_cast %get3A_50 : vector<1x128xf32> to vector<128xf32>
    %broadcast_in_dim3A_52 = vector.shape_cast %get3A_51 : vector<128xf32> to vector<1x128xf32>
    %add3A_53 = vector.broadcast %broadcast_in_dim3A_52 : vector<1x128xf32> to vector<2000x128xf32>
    %add3A_54 = arith.addf %dot_general3A_47, %add3A_53 : vector<2000x128xf32>
    %max3A_55 = arith.constant 0.000000e+00 : f32
    %max3A_56 = vector.broadcast %max3A_55 : f32 to vector<2000x128xf32>
    %max3A_57 = arith.maximumf %add3A_54, %max3A_56 : vector<2000x128xf32>
    %get3A_58 = arith.constant 1 : index
    %get3A_59 = arith.constant 0 : index
    %get3A_60 = arith.constant 0 : index
    %get3A_61 = vector.load %arg7[%get3A_58, %get3A_59, %get3A_60] : memref<4x128x128xf32, #tpu.memory_space<vmem>>, vector<1x128x128xf32>
    %get3A_62 = vector.shape_cast %get3A_61 : vector<1x128x128xf32> to vector<128x128xf32>
    %dot_general3A_63 = arith.constant dense<0.000000e+00> : vector<2000x128xf32>
    %dot_general3A_64 = tpu.matmul %max3A_57, %get3A_62, %dot_general3A_63 {dimension_numbers = #tpu.dot_dimension_numbers<[1], [0], [0], [1], [0, 0, 1, 1], [], []>, transpose_lhs_hint = false} : vector<2000x128xf32>, vector<128x128xf32>, vector<2000x128xf32> -> vector<2000x128xf32>
    %add3A_65 = arith.addf %add3A_40, %dot_general3A_64 : vector<2000x128xf32>
    %get3A_66 = arith.constant 1 : index
    %get3A_67 = arith.constant 0 : index
    %get3A_68 = vector.load %arg8[%get3A_66, %get3A_67] : memref<4x128xf32, #tpu.memory_space<vmem>>, vector<1x128xf32>
    %get3A_69 = vector.shape_cast %get3A_68 : vector<1x128xf32> to vector<128xf32>
    %broadcast_in_dim3A_70 = vector.shape_cast %get3A_69 : vector<128xf32> to vector<1x128xf32>
    %add3A_71 = vector.broadcast %broadcast_in_dim3A_70 : vector<1x128xf32> to vector<2000x128xf32>
    %add3A_72 = arith.addf %add3A_65, %add3A_71 : vector<2000x128xf32>
    %get3A_73 = arith.constant 2 : index
    %get3A_74 = arith.constant 0 : index
    %get3A_75 = arith.constant 0 : index
    %get3A_76 = vector.load %arg5[%get3A_73, %get3A_74, %get3A_75] : memref<4x128x128xf32, #tpu.memory_space<vmem>>, vector<1x128x128xf32>
    %get3A_77 = vector.shape_cast %get3A_76 : vector<1x128x128xf32> to vector<128x128xf32>
    %dot_general3A_78 = arith.constant dense<0.000000e+00> : vector<2000x128xf32>
    %dot_general3A_79 = tpu.matmul %get3A_7, %get3A_77, %dot_general3A_78 {dimension_numbers = #tpu.dot_dimension_numbers<[1], [0], [0], [1], [0, 0, 1, 1], [], []>, transpose_lhs_hint = false} : vector<2000x128xf32>, vector<128x128xf32>, vector<2000x128xf32> -> vector<2000x128xf32>
    %get3A_80 = arith.constant 2 : index
    %get3A_81 = arith.constant 0 : index
    %get3A_82 = vector.load %arg6[%get3A_80, %get3A_81] : memref<4x128xf32, #tpu.memory_space<vmem>>, vector<1x128xf32>
    %get3A_83 = vector.shape_cast %get3A_82 : vector<1x128xf32> to vector<128xf32>
    %broadcast_in_dim3A_84 = vector.shape_cast %get3A_83 : vector<128xf32> to vector<1x128xf32>
    %add3A_85 = vector.broadcast %broadcast_in_dim3A_84 : vector<1x128xf32> to vector<2000x128xf32>
    %add3A_86 = arith.addf %dot_general3A_79, %add3A_85 : vector<2000x128xf32>
    %max3A_87 = arith.constant 0.000000e+00 : f32
    %max3A_88 = vector.broadcast %max3A_87 : f32 to vector<2000x128xf32>
    %max3A_89 = arith.maximumf %add3A_86, %max3A_88 : vector<2000x128xf32>
    %get3A_90 = arith.constant 2 : index
    %get3A_91 = arith.constant 0 : index
    %get3A_92 = arith.constant 0 : index
    %get3A_93 = vector.load %arg7[%get3A_90, %get3A_91, %get3A_92] : memref<4x128x128xf32, #tpu.memory_space<vmem>>, vector<1x128x128xf32>
    %get3A_94 = vector.shape_cast %get3A_93 : vector<1x128x128xf32> to vector<128x128xf32>
    %dot_general3A_95 = arith.constant dense<0.000000e+00> : vector<2000x128xf32>
    %dot_general3A_96 = tpu.matmul %max3A_89, %get3A_94, %dot_general3A_95 {dimension_numbers = #tpu.dot_dimension_numbers<[1], [0], [0], [1], [0, 0, 1, 1], [], []>, transpose_lhs_hint = false} : vector<2000x128xf32>, vector<128x128xf32>, vector<2000x128xf32> -> vector<2000x128xf32>
    %add3A_97 = arith.addf %add3A_72, %dot_general3A_96 : vector<2000x128xf32>
    %get3A_98 = arith.constant 2 : index
    %get3A_99 = arith.constant 0 : index
    %get3A_100 = vector.load %arg8[%get3A_98, %get3A_99] : memref<4x128xf32, #tpu.memory_space<vmem>>, vector<1x128xf32>
    %get3A_101 = vector.shape_cast %get3A_100 : vector<1x128xf32> to vector<128xf32>
    %broadcast_in_dim3A_102 = vector.shape_cast %get3A_101 : vector<128xf32> to vector<1x128xf32>
    %add3A_103 = vector.broadcast %broadcast_in_dim3A_102 : vector<1x128xf32> to vector<2000x128xf32>
    %add3A_104 = arith.addf %add3A_97, %add3A_103 : vector<2000x128xf32>
    %get3A_105 = arith.constant 3 : index
    %get3A_106 = arith.constant 0 : index
    %get3A_107 = arith.constant 0 : index
    %get3A_108 = vector.load %arg5[%get3A_105, %get3A_106, %get3A_107] : memref<4x128x128xf32, #tpu.memory_space<vmem>>, vector<1x128x128xf32>
    %get3A_109 = vector.shape_cast %get3A_108 : vector<1x128x128xf32> to vector<128x128xf32>
    %dot_general3A_110 = arith.constant dense<0.000000e+00> : vector<2000x128xf32>
    %dot_general3A_111 = tpu.matmul %get3A_10, %get3A_109, %dot_general3A_110 {dimension_numbers = #tpu.dot_dimension_numbers<[1], [0], [0], [1], [0, 0, 1, 1], [], []>, transpose_lhs_hint = false} : vector<2000x128xf32>, vector<128x128xf32>, vector<2000x128xf32> -> vector<2000x128xf32>
    %get3A_112 = arith.constant 3 : index
    %get3A_113 = arith.constant 0 : index
    %get3A_114 = vector.load %arg6[%get3A_112, %get3A_113] : memref<4x128xf32, #tpu.memory_space<vmem>>, vector<1x128xf32>
    %get3A_115 = vector.shape_cast %get3A_114 : vector<1x128xf32> to vector<128xf32>
    %broadcast_in_dim3A_116 = vector.shape_cast %get3A_115 : vector<128xf32> to vector<1x128xf32>
    %add3A_117 = vector.broadcast %broadcast_in_dim3A_116 : vector<1x128xf32> to vector<2000x128xf32>
    %add3A_118 = arith.addf %dot_general3A_111, %add3A_117 : vector<2000x128xf32>
    %max3A_119 = arith.constant 0.000000e+00 : f32
    %max3A_120 = vector.broadcast %max3A_119 : f32 to vector<2000x128xf32>
    %max3A_121 = arith.maximumf %add3A_118, %max3A_120 : vector<2000x128xf32>
    %get3A_122 = arith.constant 3 : index
    %get3A_123 = arith.constant 0 : index
    %get3A_124 = arith.constant 0 : index
    %get3A_125 = vector.load %arg7[%get3A_122, %get3A_123, %get3A_124] : memref<4x128x128xf32, #tpu.memory_space<vmem>>, vector<1x128x128xf32>
    %get3A_126 = vector.shape_cast %get3A_125 : vector<1x128x128xf32> to vector<128x128xf32>
    %dot_general3A_127 = arith.constant dense<0.000000e+00> : vector<2000x128xf32>
    %dot_general3A_128 = tpu.matmul %max3A_121, %get3A_126, %dot_general3A_127 {dimension_numbers = #tpu.dot_dimension_numbers<[1], [0], [0], [1], [0, 0, 1, 1], [], []>, transpose_lhs_hint = false} : vector<2000x128xf32>, vector<128x128xf32>, vector<2000x128xf32> -> vector<2000x128xf32>
    %add3A_129 = arith.addf %add3A_104, %dot_general3A_128 : vector<2000x128xf32>
    %get3A_130 = arith.constant 3 : index
    %get3A_131 = arith.constant 0 : index
    %get3A_132 = vector.load %arg8[%get3A_130, %get3A_131] : memref<4x128xf32, #tpu.memory_space<vmem>>, vector<1x128xf32>
    %get3A_133 = vector.shape_cast %get3A_132 : vector<1x128xf32> to vector<128xf32>
    %broadcast_in_dim3A_134 = vector.shape_cast %get3A_133 : vector<128xf32> to vector<1x128xf32>
    %add3A_135 = vector.broadcast %broadcast_in_dim3A_134 : vector<1x128xf32> to vector<2000x128xf32>
    %add3A_136 = arith.addf %add3A_129, %add3A_135 : vector<2000x128xf32>
    %swap3A = arith.constant 0 : index
    %swap3A_137 = arith.constant 0 : index
    %swap3A_138 = vector.load %arg9[%swap3A, %swap3A_137] : memref<2000x128xf32, #tpu.memory_space<vmem>>, vector<2000x128xf32>
    tpu.vector_store %arg9[%swap3A, %swap3A_137], %add3A_136 {strides = array<i32>} : memref<2000x128xf32, #tpu.memory_space<vmem>>, vector<2000x128xf32>,
    return
  }
  func.func @transform_0(%arg0: i32) -> (i32, i32) {
    %c0_i32 = arith.constant 0 : i32
    %c0_i32_0 = arith.constant 0 : i32
    return %arg0, %c0_i32 : i32, i32
  }
  func.func @transform_1(%arg0: i32) -> (i32, i32) {
    %c0_i32 = arith.constant 0 : i32
    %c0_i32_0 = arith.constant 0 : i32
    return %arg0, %c0_i32 : i32, i32
  }
  func.func @transform_2(%arg0: i32) -> (i32, i32) {
    %c0_i32 = arith.constant 0 : i32
    %c0_i32_0 = arith.constant 0 : i32
    return %arg0, %c0_i32 : i32, i32
  }
  func.func @transform_3(%arg0: i32) -> (i32, i32) {
    %c0_i32 = arith.constant 0 : i32
    %c0_i32_0 = arith.constant 0 : i32
    return %arg0, %c0_i32 : i32, i32
  }
  func.func @transform_4(%arg0: i32) -> (i32, i32, i32) {
    %c0_i32 = arith.constant 0 : i32
    %c0_i32_0 = arith.constant 0 : i32
    %c0_i32_1 = arith.constant 0 : i32
    %c0_i32_2 = arith.constant 0 : i32
    return %c0_i32, %c0_i32_0, %c0_i32_1 : i32, i32, i32
  }
  func.func @transform_5(%arg0: i32) -> (i32, i32) {
    %c0_i32 = arith.constant 0 : i32
    %c0_i32_0 = arith.constant 0 : i32
    %c0_i32_1 = arith.constant 0 : i32
    return %c0_i32, %c0_i32_0 : i32, i32
  }
  func.func @transform_6(%arg0: i32) -> (i32, i32, i32) {
    %c0_i32 = arith.constant 0 : i32
    %c0_i32_0 = arith.constant 0 : i32
    %c0_i32_1 = arith.constant 0 : i32
    %c0_i32_2 = arith.constant 0 : i32
    return %c0_i32, %c0_i32_0, %c0_i32_1 : i32, i32, i32
  }
  func.func @transform_7(%arg0: i32) -> (i32, i32) {
    %c0_i32 = arith.constant 0 : i32
    %c0_i32_0 = arith.constant 0 : i32
    %c0_i32_1 = arith.constant 0 : i32
    return %c0_i32, %c0_i32_0 : i32, i32
  }
  func.func @transform_8(%arg0: i32) -> (i32, i32) {
    %c0_i32 = arith.constant 0 : i32
    %c0_i32_0 = arith.constant 0 : i32
    return %arg0, %c0_i32 : i32, i32
  }
}

module attributes {stable_mosaic.version = 14 : i64} {
  func.func @_final_kernel(%arg0: i32, %arg1: memref<2000x128xf32, #tpu.memory_space<vmem>>, %arg2: memref<3x2x2000x128xf32, #tpu.memory_space<vmem>>, %arg3: memref<4x128x128xf32, #tpu.memory_space<vmem>>, %arg4: memref<4x128xf32, #tpu.memory_space<vmem>>, %arg5: memref<4x128x128xf32, #tpu.memory_space<vmem>>, %arg6: memref<4x128xf32, #tpu.memory_space<vmem>>, %arg7: memref<2x128x128xf32, #tpu.memory_space<vmem>>, %arg8: memref<1x128xf32, #tpu.memory_space<vmem>>, %arg9: memref<1x1x2000xi32, #tpu.memory_space<vmem>>, %arg10: memref<16x128xf32, #tpu.memory_space<vmem>>) attributes {dimension_semantics = [#tpu.dimension_semantics<arbitrary>], iteration_bounds = array<i64: 5>, scalar_prefetch = 0 : i64, scratch_operands = 0 : i64, tpu.core_type = #tpu.core_type<tc>, window_params = [{transform_indices = @transform_0, window_bounds = array<i64: 2000, 128>}, {transform_indices = @transform_1, window_bounds = array<i64: 3, 2, 2000, 128>}, {pipeline_mode = #tpu.pipeline_mode<synchronous>, transform_indices = @transform_2, window_bounds = array<i64: 4, 128, 128>}, {pipeline_mode = #tpu.pipeline_mode<synchronous>, transform_indices = @transform_3, window_bounds = array<i64: 4, 128>}, {pipeline_mode = #tpu.pipeline_mode<synchronous>, transform_indices = @transform_4, window_bounds = array<i64: 4, 128, 128>}, {pipeline_mode = #tpu.pipeline_mode<synchronous>, transform_indices = @transform_5, window_bounds = array<i64: 4, 128>}, {pipeline_mode = #tpu.pipeline_mode<synchronous>, transform_indices = @transform_6, window_bounds = array<i64: 2, 128, 128>}, {pipeline_mode = #tpu.pipeline_mode<synchronous>, transform_indices = @transform_7, window_bounds = array<i64: 1, 128>}, {transform_indices = @transform_8, window_bounds = array<i64: 1, 1, 2000>}, {pipeline_mode = #tpu.pipeline_mode<synchronous>, transform_indices = @transform_9, window_bounds = array<i64: 16, 128>}]} {
    %eq3A = arith.constant 0 : i32
    %eq3A_0 = arith.cmpi eq, %arg0, %eq3A : i32
    %convert_element_type3A = arith.extui %eq3A_0 : i1 to i32
    %cond3A = arith.constant 0 : i32
    %cond3A_1 = arith.cmpi ne, %convert_element_type3A, %cond3A : i32
    scf.if %cond3A_1 {
      %broadcast_in_dim3A_207 = arith.constant 0.000000e+00 : f32
      %broadcast_in_dim3A_208 = vector.broadcast %broadcast_in_dim3A_207 : f32 to vector<16x128xf32>
      %swap3A_209 = arith.constant 0 : index
      %swap3A_210 = arith.constant 0 : index
      %swap3A_211 = vector.load %arg10[%swap3A_209, %swap3A_210] : memref<16x128xf32, #tpu.memory_space<vmem>>, vector<16x128xf32>
      tpu.vector_store %arg10[%swap3A_209, %swap3A_210], %broadcast_in_dim3A_208 {strides = array<i32>} : memref<16x128xf32, #tpu.memory_space<vmem>>, vector<16x128xf32>,
    } else {
    }
    %get3A = arith.constant 0 : index
    %get3A_2 = arith.constant 0 : index
    %get3A_3 = vector.load %arg1[%get3A, %get3A_2] : memref<2000x128xf32, #tpu.memory_space<vmem>>, vector<2000x128xf32>
    %get3A_4 = arith.constant 0 : index
    %get3A_5 = arith.constant 0 : index
    %get3A_6 = arith.constant 0 : index
    %get3A_7 = arith.constant 0 : index
    %get3A_8 = vector.load %arg2[%get3A_4, %get3A_5, %get3A_6, %get3A_7] : memref<3x2x2000x128xf32, #tpu.memory_space<vmem>>, vector<1x1x2000x128xf32>
    %get3A_9 = vector.shape_cast %get3A_8 : vector<1x1x2000x128xf32> to vector<2000x128xf32>
    %get3A_10 = arith.constant 0 : index
    %get3A_11 = arith.constant 1 : index
    %get3A_12 = arith.constant 0 : index
    %get3A_13 = arith.constant 0 : index
    %get3A_14 = vector.load %arg2[%get3A_10, %get3A_11, %get3A_12, %get3A_13] : memref<3x2x2000x128xf32, #tpu.memory_space<vmem>>, vector<1x1x2000x128xf32>
    %get3A_15 = vector.shape_cast %get3A_14 : vector<1x1x2000x128xf32> to vector<2000x128xf32>
    %add3A = arith.addf %get3A_9, %get3A_15 : vector<2000x128xf32>
    %get3A_16 = arith.constant 1 : index
    %get3A_17 = arith.constant 0 : index
    %get3A_18 = arith.constant 0 : index
    %get3A_19 = arith.constant 0 : index
    %get3A_20 = vector.load %arg2[%get3A_16, %get3A_17, %get3A_18, %get3A_19] : memref<3x2x2000x128xf32, #tpu.memory_space<vmem>>, vector<1x1x2000x128xf32>
    %get3A_21 = vector.shape_cast %get3A_20 : vector<1x1x2000x128xf32> to vector<2000x128xf32>
    %get3A_22 = arith.constant 1 : index
    %get3A_23 = arith.constant 1 : index
    %get3A_24 = arith.constant 0 : index
    %get3A_25 = arith.constant 0 : index
    %get3A_26 = vector.load %arg2[%get3A_22, %get3A_23, %get3A_24, %get3A_25] : memref<3x2x2000x128xf32, #tpu.memory_space<vmem>>, vector<1x1x2000x128xf32>
    %get3A_27 = vector.shape_cast %get3A_26 : vector<1x1x2000x128xf32> to vector<2000x128xf32>
    %add3A_28 = arith.addf %get3A_21, %get3A_27 : vector<2000x128xf32>
    %get3A_29 = arith.constant 2 : index
    %get3A_30 = arith.constant 0 : index
    %get3A_31 = arith.constant 0 : index
    %get3A_32 = arith.constant 0 : index
    %get3A_33 = vector.load %arg2[%get3A_29, %get3A_30, %get3A_31, %get3A_32] : memref<3x2x2000x128xf32, #tpu.memory_space<vmem>>, vector<1x1x2000x128xf32>
    %get3A_34 = vector.shape_cast %get3A_33 : vector<1x1x2000x128xf32> to vector<2000x128xf32>
    %get3A_35 = arith.constant 2 : index
    %get3A_36 = arith.constant 1 : index
    %get3A_37 = arith.constant 0 : index
    %get3A_38 = arith.constant 0 : index
    %get3A_39 = vector.load %arg2[%get3A_35, %get3A_36, %get3A_37, %get3A_38] : memref<3x2x2000x128xf32, #tpu.memory_space<vmem>>, vector<1x1x2000x128xf32>
    %get3A_40 = vector.shape_cast %get3A_39 : vector<1x1x2000x128xf32> to vector<2000x128xf32>
    %add3A_41 = arith.addf %get3A_34, %get3A_40 : vector<2000x128xf32>
    %broadcast_in_dim3A = arith.constant 0.000000e+00 : f32
    %broadcast_in_dim3A_42 = vector.broadcast %broadcast_in_dim3A : f32 to vector<2000x128xf32>
    %get3A_43 = arith.constant 0 : index
    %get3A_44 = arith.constant 0 : index
    %get3A_45 = arith.constant 0 : index
    %get3A_46 = vector.load %arg3[%get3A_43, %get3A_44, %get3A_45] : memref<4x128x128xf32, #tpu.memory_space<vmem>>, vector<1x128x128xf32>
    %get3A_47 = vector.shape_cast %get3A_46 : vector<1x128x128xf32> to vector<128x128xf32>
    %dot_general3A = arith.constant dense<0.000000e+00> : vector<2000x128xf32>
    %dot_general3A_48 = tpu.matmul %get3A_3, %get3A_47, %dot_general3A {dimension_numbers = #tpu.dot_dimension_numbers<[1], [0], [0], [1], [0, 0, 1, 1], [], []>, transpose_lhs_hint = false} : vector<2000x128xf32>, vector<128x128xf32>, vector<2000x128xf32> -> vector<2000x128xf32>
    %get3A_49 = arith.constant 0 : index
    %get3A_50 = arith.constant 0 : index
    %get3A_51 = vector.load %arg4[%get3A_49, %get3A_50] : memref<4x128xf32, #tpu.memory_space<vmem>>, vector<1x128xf32>
    %get3A_52 = vector.shape_cast %get3A_51 : vector<1x128xf32> to vector<128xf32>
    %broadcast_in_dim3A_53 = vector.shape_cast %get3A_52 : vector<128xf32> to vector<1x128xf32>
    %add3A_54 = vector.broadcast %broadcast_in_dim3A_53 : vector<1x128xf32> to vector<2000x128xf32>
    %add3A_55 = arith.addf %dot_general3A_48, %add3A_54 : vector<2000x128xf32>
    %max3A = arith.constant 0.000000e+00 : f32
    %max3A_56 = vector.broadcast %max3A : f32 to vector<2000x128xf32>
    %max3A_57 = arith.maximumf %add3A_55, %max3A_56 : vector<2000x128xf32>
    %get3A_58 = arith.constant 0 : index
    %get3A_59 = arith.constant 0 : index
    %get3A_60 = arith.constant 0 : index
    %get3A_61 = vector.load %arg5[%get3A_58, %get3A_59, %get3A_60] : memref<4x128x128xf32, #tpu.memory_space<vmem>>, vector<1x128x128xf32>
    %get3A_62 = vector.shape_cast %get3A_61 : vector<1x128x128xf32> to vector<128x128xf32>
    %dot_general3A_63 = arith.constant dense<0.000000e+00> : vector<2000x128xf32>
    %dot_general3A_64 = tpu.matmul %max3A_57, %get3A_62, %dot_general3A_63 {dimension_numbers = #tpu.dot_dimension_numbers<[1], [0], [0], [1], [0, 0, 1, 1], [], []>, transpose_lhs_hint = false} : vector<2000x128xf32>, vector<128x128xf32>, vector<2000x128xf32> -> vector<2000x128xf32>
    %add3A_65 = arith.addf %broadcast_in_dim3A_42, %dot_general3A_64 : vector<2000x128xf32>
    %get3A_66 = arith.constant 0 : index
    %get3A_67 = arith.constant 0 : index
    %get3A_68 = vector.load %arg6[%get3A_66, %get3A_67] : memref<4x128xf32, #tpu.memory_space<vmem>>, vector<1x128xf32>
    %get3A_69 = vector.shape_cast %get3A_68 : vector<1x128xf32> to vector<128xf32>
    %broadcast_in_dim3A_70 = vector.shape_cast %get3A_69 : vector<128xf32> to vector<1x128xf32>
    %add3A_71 = vector.broadcast %broadcast_in_dim3A_70 : vector<1x128xf32> to vector<2000x128xf32>
    %add3A_72 = arith.addf %add3A_65, %add3A_71 : vector<2000x128xf32>
    %get3A_73 = arith.constant 1 : index
    %get3A_74 = arith.constant 0 : index
    %get3A_75 = arith.constant 0 : index
    %get3A_76 = vector.load %arg3[%get3A_73, %get3A_74, %get3A_75] : memref<4x128x128xf32, #tpu.memory_space<vmem>>, vector<1x128x128xf32>
    %get3A_77 = vector.shape_cast %get3A_76 : vector<1x128x128xf32> to vector<128x128xf32>
    %dot_general3A_78 = arith.constant dense<0.000000e+00> : vector<2000x128xf32>
    %dot_general3A_79 = tpu.matmul %add3A, %get3A_77, %dot_general3A_78 {dimension_numbers = #tpu.dot_dimension_numbers<[1], [0], [0], [1], [0, 0, 1, 1], [], []>, transpose_lhs_hint = false} : vector<2000x128xf32>, vector<128x128xf32>, vector<2000x128xf32> -> vector<2000x128xf32>
    %get3A_80 = arith.constant 1 : index
    %get3A_81 = arith.constant 0 : index
    %get3A_82 = vector.load %arg4[%get3A_80, %get3A_81] : memref<4x128xf32, #tpu.memory_space<vmem>>, vector<1x128xf32>
    %get3A_83 = vector.shape_cast %get3A_82 : vector<1x128xf32> to vector<128xf32>
    %broadcast_in_dim3A_84 = vector.shape_cast %get3A_83 : vector<128xf32> to vector<1x128xf32>
    %add3A_85 = vector.broadcast %broadcast_in_dim3A_84 : vector<1x128xf32> to vector<2000x128xf32>
    %add3A_86 = arith.addf %dot_general3A_79, %add3A_85 : vector<2000x128xf32>
    %max3A_87 = arith.constant 0.000000e+00 : f32
    %max3A_88 = vector.broadcast %max3A_87 : f32 to vector<2000x128xf32>
    %max3A_89 = arith.maximumf %add3A_86, %max3A_88 : vector<2000x128xf32>
    %get3A_90 = arith.constant 1 : index
    %get3A_91 = arith.constant 0 : index
    %get3A_92 = arith.constant 0 : index
    %get3A_93 = vector.load %arg5[%get3A_90, %get3A_91, %get3A_92] : memref<4x128x128xf32, #tpu.memory_space<vmem>>, vector<1x128x128xf32>
    %get3A_94 = vector.shape_cast %get3A_93 : vector<1x128x128xf32> to vector<128x128xf32>
    %dot_general3A_95 = arith.constant dense<0.000000e+00> : vector<2000x128xf32>
    %dot_general3A_96 = tpu.matmul %max3A_89, %get3A_94, %dot_general3A_95 {dimension_numbers = #tpu.dot_dimension_numbers<[1], [0], [0], [1], [0, 0, 1, 1], [], []>, transpose_lhs_hint = false} : vector<2000x128xf32>, vector<128x128xf32>, vector<2000x128xf32> -> vector<2000x128xf32>
    %add3A_97 = arith.addf %add3A_72, %dot_general3A_96 : vector<2000x128xf32>
    %get3A_98 = arith.constant 1 : index
    %get3A_99 = arith.constant 0 : index
    %get3A_100 = vector.load %arg6[%get3A_98, %get3A_99] : memref<4x128xf32, #tpu.memory_space<vmem>>, vector<1x128xf32>
    %get3A_101 = vector.shape_cast %get3A_100 : vector<1x128xf32> to vector<128xf32>
    %broadcast_in_dim3A_102 = vector.shape_cast %get3A_101 : vector<128xf32> to vector<1x128xf32>
    %add3A_103 = vector.broadcast %broadcast_in_dim3A_102 : vector<1x128xf32> to vector<2000x128xf32>
    %add3A_104 = arith.addf %add3A_97, %add3A_103 : vector<2000x128xf32>
    %get3A_105 = arith.constant 2 : index
    %get3A_106 = arith.constant 0 : index
    %get3A_107 = arith.constant 0 : index
    %get3A_108 = vector.load %arg3[%get3A_105, %get3A_106, %get3A_107] : memref<4x128x128xf32, #tpu.memory_space<vmem>>, vector<1x128x128xf32>
    %get3A_109 = vector.shape_cast %get3A_108 : vector<1x128x128xf32> to vector<128x128xf32>
    %dot_general3A_110 = arith.constant dense<0.000000e+00> : vector<2000x128xf32>
    %dot_general3A_111 = tpu.matmul %add3A_28, %get3A_109, %dot_general3A_110 {dimension_numbers = #tpu.dot_dimension_numbers<[1], [0], [0], [1], [0, 0, 1, 1], [], []>, transpose_lhs_hint = false} : vector<2000x128xf32>, vector<128x128xf32>, vector<2000x128xf32> -> vector<2000x128xf32>
    %get3A_112 = arith.constant 2 : index
    %get3A_113 = arith.constant 0 : index
    %get3A_114 = vector.load %arg4[%get3A_112, %get3A_113] : memref<4x128xf32, #tpu.memory_space<vmem>>, vector<1x128xf32>
    %get3A_115 = vector.shape_cast %get3A_114 : vector<1x128xf32> to vector<128xf32>
    %broadcast_in_dim3A_116 = vector.shape_cast %get3A_115 : vector<128xf32> to vector<1x128xf32>
    %add3A_117 = vector.broadcast %broadcast_in_dim3A_116 : vector<1x128xf32> to vector<2000x128xf32>
    %add3A_118 = arith.addf %dot_general3A_111, %add3A_117 : vector<2000x128xf32>
    %max3A_119 = arith.constant 0.000000e+00 : f32
    %max3A_120 = vector.broadcast %max3A_119 : f32 to vector<2000x128xf32>
    %max3A_121 = arith.maximumf %add3A_118, %max3A_120 : vector<2000x128xf32>
    %get3A_122 = arith.constant 2 : index
    %get3A_123 = arith.constant 0 : index
    %get3A_124 = arith.constant 0 : index
    %get3A_125 = vector.load %arg5[%get3A_122, %get3A_123, %get3A_124] : memref<4x128x128xf32, #tpu.memory_space<vmem>>, vector<1x128x128xf32>
    %get3A_126 = vector.shape_cast %get3A_125 : vector<1x128x128xf32> to vector<128x128xf32>
    %dot_general3A_127 = arith.constant dense<0.000000e+00> : vector<2000x128xf32>
    %dot_general3A_128 = tpu.matmul %max3A_121, %get3A_126, %dot_general3A_127 {dimension_numbers = #tpu.dot_dimension_numbers<[1], [0], [0], [1], [0, 0, 1, 1], [], []>, transpose_lhs_hint = false} : vector<2000x128xf32>, vector<128x128xf32>, vector<2000x128xf32> -> vector<2000x128xf32>
    %add3A_129 = arith.addf %add3A_104, %dot_general3A_128 : vector<2000x128xf32>
    %get3A_130 = arith.constant 2 : index
    %get3A_131 = arith.constant 0 : index
    %get3A_132 = vector.load %arg6[%get3A_130, %get3A_131] : memref<4x128xf32, #tpu.memory_space<vmem>>, vector<1x128xf32>
    %get3A_133 = vector.shape_cast %get3A_132 : vector<1x128xf32> to vector<128xf32>
    %broadcast_in_dim3A_134 = vector.shape_cast %get3A_133 : vector<128xf32> to vector<1x128xf32>
    %add3A_135 = vector.broadcast %broadcast_in_dim3A_134 : vector<1x128xf32> to vector<2000x128xf32>
    %add3A_136 = arith.addf %add3A_129, %add3A_135 : vector<2000x128xf32>
    %get3A_137 = arith.constant 3 : index
    %get3A_138 = arith.constant 0 : index
    %get3A_139 = arith.constant 0 : index
    %get3A_140 = vector.load %arg3[%get3A_137, %get3A_138, %get3A_139] : memref<4x128x128xf32, #tpu.memory_space<vmem>>, vector<1x128x128xf32>
    %get3A_141 = vector.shape_cast %get3A_140 : vector<1x128x128xf32> to vector<128x128xf32>
    %dot_general3A_142 = arith.constant dense<0.000000e+00> : vector<2000x128xf32>
    %dot_general3A_143 = tpu.matmul %add3A_41, %get3A_141, %dot_general3A_142 {dimension_numbers = #tpu.dot_dimension_numbers<[1], [0], [0], [1], [0, 0, 1, 1], [], []>, transpose_lhs_hint = false} : vector<2000x128xf32>, vector<128x128xf32>, vector<2000x128xf32> -> vector<2000x128xf32>
    %get3A_144 = arith.constant 3 : index
    %get3A_145 = arith.constant 0 : index
    %get3A_146 = vector.load %arg4[%get3A_144, %get3A_145] : memref<4x128xf32, #tpu.memory_space<vmem>>, vector<1x128xf32>
    %get3A_147 = vector.shape_cast %get3A_146 : vector<1x128xf32> to vector<128xf32>
    %broadcast_in_dim3A_148 = vector.shape_cast %get3A_147 : vector<128xf32> to vector<1x128xf32>
    %add3A_149 = vector.broadcast %broadcast_in_dim3A_148 : vector<1x128xf32> to vector<2000x128xf32>
    %add3A_150 = arith.addf %dot_general3A_143, %add3A_149 : vector<2000x128xf32>
    %max3A_151 = arith.constant 0.000000e+00 : f32
    %max3A_152 = vector.broadcast %max3A_151 : f32 to vector<2000x128xf32>
    %max3A_153 = arith.maximumf %add3A_150, %max3A_152 : vector<2000x128xf32>
    %get3A_154 = arith.constant 3 : index
    %get3A_155 = arith.constant 0 : index
    %get3A_156 = arith.constant 0 : index
    %get3A_157 = vector.load %arg5[%get3A_154, %get3A_155, %get3A_156] : memref<4x128x128xf32, #tpu.memory_space<vmem>>, vector<1x128x128xf32>
    %get3A_158 = vector.shape_cast %get3A_157 : vector<1x128x128xf32> to vector<128x128xf32>
    %dot_general3A_159 = arith.constant dense<0.000000e+00> : vector<2000x128xf32>
    %dot_general3A_160 = tpu.matmul %max3A_153, %get3A_158, %dot_general3A_159 {dimension_numbers = #tpu.dot_dimension_numbers<[1], [0], [0], [1], [0, 0, 1, 1], [], []>, transpose_lhs_hint = false} : vector<2000x128xf32>, vector<128x128xf32>, vector<2000x128xf32> -> vector<2000x128xf32>
    %add3A_161 = arith.addf %add3A_136, %dot_general3A_160 : vector<2000x128xf32>
    %get3A_162 = arith.constant 3 : index
    %get3A_163 = arith.constant 0 : index
    %get3A_164 = vector.load %arg6[%get3A_162, %get3A_163] : memref<4x128xf32, #tpu.memory_space<vmem>>, vector<1x128xf32>
    %get3A_165 = vector.shape_cast %get3A_164 : vector<1x128xf32> to vector<128xf32>
    %broadcast_in_dim3A_166 = vector.shape_cast %get3A_165 : vector<128xf32> to vector<1x128xf32>
    %add3A_167 = vector.broadcast %broadcast_in_dim3A_166 : vector<1x128xf32> to vector<2000x128xf32>
    %add3A_168 = arith.addf %add3A_161, %add3A_167 : vector<2000x128xf32>
    %get3A_169 = arith.constant 0 : index
    %get3A_170 = arith.constant 0 : index
    %get3A_171 = arith.constant 0 : index
    %get3A_172 = vector.load %arg7[%get3A_169, %get3A_170, %get3A_171] : memref<2x128x128xf32, #tpu.memory_space<vmem>>, vector<1x128x128xf32>
    %get3A_173 = vector.shape_cast %get3A_172 : vector<1x128x128xf32> to vector<128x128xf32>
    %dot_general3A_174 = arith.constant dense<0.000000e+00> : vector<2000x128xf32>
    %dot_general3A_175 = tpu.matmul %get3A_3, %get3A_173, %dot_general3A_174 {dimension_numbers = #tpu.dot_dimension_numbers<[1], [0], [0], [1], [0, 0, 1, 1], [], []>, transpose_lhs_hint = false} : vector<2000x128xf32>, vector<128x128xf32>, vector<2000x128xf32> -> vector<2000x128xf32>
    %get3A_176 = arith.constant 1 : index
    %get3A_177 = arith.constant 0 : index
    %get3A_178 = arith.constant 0 : index
    %get3A_179 = vector.load %arg7[%get3A_176, %get3A_177, %get3A_178] : memref<2x128x128xf32, #tpu.memory_space<vmem>>, vector<1x128x128xf32>
    %get3A_180 = vector.shape_cast %get3A_179 : vector<1x128x128xf32> to vector<128x128xf32>
    %dot_general3A_181 = arith.constant dense<0.000000e+00> : vector<2000x128xf32>
    %dot_general3A_182 = tpu.matmul %add3A_168, %get3A_180, %dot_general3A_181 {dimension_numbers = #tpu.dot_dimension_numbers<[1], [0], [0], [1], [0, 0, 1, 1], [], []>, transpose_lhs_hint = false} : vector<2000x128xf32>, vector<128x128xf32>, vector<2000x128xf32> -> vector<2000x128xf32>
    %add3A_183 = arith.addf %dot_general3A_175, %dot_general3A_182 : vector<2000x128xf32>
    %get3A_184 = arith.constant 0 : index
    %get3A_185 = arith.constant 0 : index
    %get3A_186 = vector.load %arg8[%get3A_184, %get3A_185] : memref<1x128xf32, #tpu.memory_space<vmem>>, vector<1x128xf32>
    %add3A_187 = vector.broadcast %get3A_186 : vector<1x128xf32> to vector<2000x128xf32>
    %add3A_188 = arith.addf %add3A_183, %add3A_187 : vector<2000x128xf32>
    %get3A_189 = arith.constant 0 : index
    %get3A_190 = arith.constant 0 : index
    %get3A_191 = arith.constant 0 : index
    %get3A_192 = vector.load %arg9[%get3A_189, %get3A_190, %get3A_191] : memref<1x1x2000xi32, #tpu.memory_space<vmem>>, vector<1x1x2000xi32>
    %get3A_193 = vector.shape_cast %get3A_192 : vector<1x1x2000xi32> to vector<2000xi32>
    %broadcast_in_dim3A_194 = vector.shape_cast %get3A_193 : vector<2000xi32> to vector<1x2000xi32>
    %iota3A = tpu.iota {dimensions = array<i32: 0>} : vector<16x2000xi32>
    %eq3A_195 = vector.broadcast %broadcast_in_dim3A_194 : vector<1x2000xi32> to vector<16x2000xi32>
    %eq3A_196 = arith.cmpi eq, %eq3A_195, %iota3A : vector<16x2000xi32>
    %convert_element_type3A_197 = arith.extui %eq3A_196 : vector<16x2000xi1> to vector<16x2000xi32>
    %convert_element_type3A_198 = arith.sitofp %convert_element_type3A_197 : vector<16x2000xi32> to vector<16x2000xf32>
    %get3A_199 = arith.constant 0 : index
    %get3A_200 = arith.constant 0 : index
    %get3A_201 = vector.load %arg10[%get3A_199, %get3A_200] : memref<16x128xf32, #tpu.memory_space<vmem>>, vector<16x128xf32>
    %dot_general3A_202 = arith.constant dense<0.000000e+00> : vector<16x128xf32>
    %dot_general3A_203 = tpu.matmul %convert_element_type3A_198, %add3A_188, %dot_general3A_202 {dimension_numbers = #tpu.dot_dimension_numbers<[1], [0], [0], [1], [0, 0, 1, 1], [], []>, transpose_lhs_hint = false} : vector<16x2000xf32>, vector<2000x128xf32>, vector<16x128xf32> -> vector<16x128xf32>
    %add3A_204 = arith.addf %get3A_201, %dot_general3A_203 : vector<16x128xf32>
    %swap3A = arith.constant 0 : index
    %swap3A_205 = arith.constant 0 : index
    %swap3A_206 = vector.load %arg10[%swap3A, %swap3A_205] : memref<16x128xf32, #tpu.memory_space<vmem>>, vector<16x128xf32>
    tpu.vector_store %arg10[%swap3A, %swap3A_205], %add3A_204 {strides = array<i32>} : memref<16x128xf32, #tpu.memory_space<vmem>>, vector<16x128xf32>,
    return
  }
  func.func @transform_0(%arg0: i32) -> (i32, i32) {
    %c0_i32 = arith.constant 0 : i32
    %c0_i32_0 = arith.constant 0 : i32
    return %arg0, %c0_i32 : i32, i32
  }
  func.func @transform_1(%arg0: i32) -> (i32, i32, i32, i32) {
    %c0_i32 = arith.constant 0 : i32
    %c0_i32_0 = arith.constant 0 : i32
    %c0_i32_1 = arith.constant 0 : i32
    %c0_i32_2 = arith.constant 0 : i32
    return %c0_i32, %c0_i32_0, %arg0, %c0_i32_1 : i32, i32, i32, i32
  }
  func.func @transform_2(%arg0: i32) -> (i32, i32, i32) {
    %c0_i32 = arith.constant 0 : i32
    %c0_i32_0 = arith.constant 0 : i32
    %c0_i32_1 = arith.constant 0 : i32
    %c0_i32_2 = arith.constant 0 : i32
    return %c0_i32, %c0_i32_0, %c0_i32_1 : i32, i32, i32
  }
  func.func @transform_3(%arg0: i32) -> (i32, i32) {
    %c0_i32 = arith.constant 0 : i32
    %c0_i32_0 = arith.constant 0 : i32
    %c0_i32_1 = arith.constant 0 : i32
    return %c0_i32, %c0_i32_0 : i32, i32
  }
  func.func @transform_4(%arg0: i32) -> (i32, i32, i32) {
    %c0_i32 = arith.constant 0 : i32
    %c0_i32_0 = arith.constant 0 : i32
    %c0_i32_1 = arith.constant 0 : i32
    %c0_i32_2 = arith.constant 0 : i32
    return %c0_i32, %c0_i32_0, %c0_i32_1 : i32, i32, i32
  }
  func.func @transform_5(%arg0: i32) -> (i32, i32) {
    %c0_i32 = arith.constant 0 : i32
    %c0_i32_0 = arith.constant 0 : i32
    %c0_i32_1 = arith.constant 0 : i32
    return %c0_i32, %c0_i32_0 : i32, i32
  }
  func.func @transform_6(%arg0: i32) -> (i32, i32, i32) {
    %c0_i32 = arith.constant 0 : i32
    %c0_i32_0 = arith.constant 0 : i32
    %c0_i32_1 = arith.constant 0 : i32
    %c0_i32_2 = arith.constant 0 : i32
    return %c0_i32, %c0_i32_0, %c0_i32_1 : i32, i32, i32
  }
  func.func @transform_7(%arg0: i32) -> (i32, i32) {
    %c0_i32 = arith.constant 0 : i32
    %c0_i32_0 = arith.constant 0 : i32
    %c0_i32_1 = arith.constant 0 : i32
    return %c0_i32, %c0_i32_0 : i32, i32
  }
  func.func @transform_8(%arg0: i32) -> (i32, i32, i32) {
    %c0_i32 = arith.constant 0 : i32
    %c0_i32_0 = arith.constant 0 : i32
    %c0_i32_1 = arith.constant 0 : i32
    return %arg0, %c0_i32, %c0_i32_0 : i32, i32, i32
  }
  func.func @transform_9(%arg0: i32) -> (i32, i32) {
    %c0_i32 = arith.constant 0 : i32
    %c0_i32_0 = arith.constant 0 : i32
    %c0_i32_1 = arith.constant 0 : i32
    return %c0_i32, %c0_i32_0 : i32, i32
  }
}

</mosaic_0001>

<sc_bundles>
// kernel: kernel.5.cloned.1.call-start
scs
__scs_entry_jumppad:
0x0: {  	(pc) =	sbr.rel $0x88, $3  }
0x1: {  	(tag) =	ssettag $0x0;
	lr =	simm.s32 $0x1  }
0x2: {  	[smem:$0x3F8E] =	sst lr;
	_ =	strace $0xD0000000  }
0x3: {  	_ = 	snop  }
0x4: {  	_ = 	snop  }
0x5: {  	_ = 	snop  }
0x6: {  	_ = 	snop  }
0x7: {  	_ = 	snop  }
__scs_overlays_trampoline_lowered:
0x8: {  	[smem:$0x3F9D] =	sst s0  }
0x9: {  	[smem:$0x3F9E] =	sst s1  }
0xa: {  	[smem:$0x3F9F] =	sst s2  }
0xb: {  	[smem:$0x3FA0] =	sst s3  }
0xc: {  	[smem:$0x3FA1] =	sst s4  }
0xd: {  	[smem:$0x3FA2] =	sst s5  }
0xe: {  	[smem:$0x3FA3] =	sst s6  }
0xf: {  	[smem:$0x3FA4] =	sst s7  }
0x10: {  	[smem:$0x3FA5] =	sst s8  }
0x11: {  	[smem:$0x3FA6] =	sst s9;
	s0 =	simm.s32 @!p0 $0x0  }
0x12: {  	s1 =	sld [smem:$0x3F8C];
	s0 =	simm.s32 @p0 $0x1  }
0x13: {  	[smem:$0x3FA7] =	sst s0;
	s0 =	simm.s32 @!p1 $0x0  }
0x14: {  	s2 =	sld [smem:$0x3F8B];
	s0 =	simm.s32 @p1 $0x1  }
0x15: {  	[smem:$0x3FA8] =	sst s0;
	s0 =	simm.s32 @!p2 $0x0  }
0x16: {  	s3 =	sld [smem:$0x3FDB];
	s0 =	simm.s32 @p2 $0x1  }
0x17: {  	s4 =	simm.s32 $0x1BF5;
	[smem:$0x3FAA] =	sst s0  }
0x18: {  	s0 =	sld [smem:$0x3F8D];
	_ =	swait.ge [sflag:s4], $0x0  }
0x19: {  	s7 =	sld [smem:$0x3F8E]  }
0x1a: {  	s8 =	sadd.s32 $0xFFFFE003, lr  }
0x1b: {  	s9 =	sadd.s32 $0xFFFFFEF7, lr;
	s5 =	simm.s32 $0xFFFFFFFF;
	p2 =	slt.u32 s8, $0xFFFFF086  }
0x1c: {  	p1 =	slt.u32 s9, $0xF7A;
	s5 =	simm.s32 @!p2 $0x0  }
0x1d: {  	s5 =	simm.s32 @p1 $0x1;
	p0 =	seq.s32 s7, s2  }
0x1e: {  	s7 =	smul.u32 @!p0 $0xF7A, s2;
	p2 =	seq.s32 @!p0 s5, $0x0  }
0x1f: {  	s9 =	smul.u32 $0xF7A, s1;
	s8 =	simm.s32 @!p0 $0x1BF5;
	p2 =	por !p2, p0  }
0x20: {  	[sflag:s8] =	ssyncset.s32 @!p0 $0xFFFFF086;
	s6 =	sadd.s32 @!p0 s3, s7;
	s7 =	simm.s32 @!p0 $0x108  }
0x21: {  	s3 =	sadd.s32 s3, s9;
	s6 =	sadd.s32 @!p0 $0x88, s6;
	s7 =	simm.s32 @p2 $0x1082  }
0x22: {  	[simem:s7], [sflag:s8] =	dma.local @!p0 [hbm:s6], $0xF7A  }
0x23: {  	s9 =	sor.u32 $0xD0000000, s2;
	s6 =	simm.s32 $0x108;
	_ =	swait.ge @!p0 [sflag:s8], $0x0  }
0x24: {  	s3 =	sadd.s32 $0x88, s3;
	s6 =	simm.s32 @!p1 $0x1082;
	[sflag:s4] =	ssyncset.s32 $0xFFFFF086  }
0x25: {  	[simem:s6], [sflag:s4] =	dma.local [hbm:s3], $0xF7A  }
0x26: {  	[smem:$0x3F8E] =	sst s1;
	(tag) =	ssettag s2;
	_ =	strace s9  }
0x27: {  	s1 =	sld [smem:$0x3F9E]  }
0x28: {  	s2 =	sld [smem:$0x3F9F]  }
0x29: {  	s4 =	sld [smem:$0x3FA1]  }
0x2a: {  	p0 =	seq.s32 s5, $0x0;
	s5 =	sld [smem:$0x3FA2]  }
0x2b: {  	s6 =	sld [smem:$0x3FA3]  }
0x2c: {  	s7 =	sld [smem:$0x3FA4]  }
0x2d: {  	s3 =	simm.s32 $0x108;
	s8 =	sld [smem:$0x3FA5]  }
0x2e: {  	s3 =	simm.s32 @!p0 $0x1082;
	s9 =	sld [smem:$0x3FA6]  }
0x2f: {  	lr =	sadd.s32 s0, s3;
	s0 =	sld [smem:$0x3F9D]  }
0x30: {  	s3 =	sld [smem:$0x3FA0]  }
0x31: {  	[smem:$0x3FA9] =	sst s10  }
0x32: {  	s10 =	sld [smem:$0x3FA7];
	_ =	sdelay $0x3  }
0x33: {  	p0 =	seq.s32 s10, $0x1;
	s10 =	sld [smem:$0x3FA9];
	_ =	sdelay $0x3  }
0x34: {  	[smem:$0x3FA9] =	sst s10  }
0x35: {  	s10 =	sld [smem:$0x3FA8];
	_ =	sdelay $0x3  }
0x36: {  	p1 =	seq.s32 s10, $0x1;
	s10 =	sld [smem:$0x3FA9];
	_ =	sdelay $0x3  }
0x37: {  	[smem:$0x3FA9] =	sst s10  }
0x38: {  	s10 =	sld [smem:$0x3FAA]  }
0x39: {  	_ = 	snop;
	(pc) =	sbr.ind lr, $3  }
0x3a: {  	_ = 	snop  }
0x3b: {  	_ = 	snop  }
0x3c: {  	p2 =	seq.s32 s10, $0x1;
	s10 =	sld [smem:$0x3FA9]  }
0x3d: {  	_ =	shalt  }
0x3e: {  	_ =	shalt  }
0x3f: {  	_ =	shalt  }
0x40: {  	_ =	shalt  }
0x41: {  	_ =	shalt  }
0x42: {  	_ =	shalt  }
0x43: {  	_ =	shalt  }
0x44: {  	_ =	shalt  }
0x45: {  	_ =	shalt  }
0x46: {  	_ =	shalt  }
0x47: {  	_ =	shalt  }
0x48: {  	_ =	shalt  }
0x49: {  	_ =	shalt  }
0x4a: {  	_ =	shalt  }
0x4b: {  	_ =	shalt  }
0x4c: {  	_ =	shalt  }
0x4d: {  	_ =	shalt  }
0x4e: {  	_ =	shalt  }
0x4f: {  	_ =	shalt  }
0x50: {  	_ =	shalt  }
0x51: {  	_ =	shalt  }
0x52: {  	_ =	shalt  }
0x53: {  	_ =	shalt  }
0x54: {  	_ =	shalt  }
0x55: {  	_ =	shalt  }
0x56: {  	_ =	shalt  }
0x57: {  	_ =	shalt  }
0x58: {  	_ =	shalt  }
0x59: {  	_ =	shalt  }
0x5a: {  	_ =	shalt  }
0x5b: {  	_ =	shalt  }
0x5c: {  	_ =	shalt  }
0x5d: {  	_ =	shalt  }
0x5e: {  	_ =	shalt  }
0x5f: {  	_ =	shalt  }
0x60: {  	_ =	shalt  }
0x61: {  	_ =	shalt  }
0x62: {  	_ =	shalt  }
0x63: {  	_ =	shalt  }
0x64: {  	_ =	shalt  }
0x65: {  	_ =	shalt  }
0x66: {  	_ =	shalt  }
0x67: {  	_ =	shalt  }
0x68: {  	_ =	shalt  }
0x69: {  	_ =	shalt  }
0x6a: {  	_ =	shalt  }
0x6b: {  	_ =	shalt  }
0x6c: {  	_ =	shalt  }
0x6d: {  	_ =	shalt  }
0x6e: {  	_ =	shalt  }
0x6f: {  	_ =	shalt  }
0x70: {  	_ =	shalt  }
0x71: {  	_ =	shalt  }
0x72: {  	_ =	shalt  }
0x73: {  	_ =	shalt  }
0x74: {  	_ =	shalt  }
0x75: {  	_ =	shalt  }
0x76: {  	_ =	shalt  }
0x77: {  	_ =	shalt  }
0x78: {  	_ =	shalt  }
0x79: {  	_ =	shalt  }
0x7a: {  	_ =	shalt  }
0x7b: {  	_ =	shalt  }
0x7c: {  	_ =	shalt  }
0x7d: {  	_ =	shalt  }
0x7e: {  	_ =	shalt  }
0x7f: {  	_ =	shalt  }
0x80: {  	_ =	shalt  }
0x81: {  	_ =	shalt  }
0x82: {  	_ =	shalt  }
0x83: {  	_ =	shalt  }
0x84: {  	_ =	shalt  }
0x85: {  	_ =	shalt  }
0x86: {  	_ =	shalt  }
0x87: {  	_ =	shalt  }
.Lfunc_end0:
.L_simem_size_0:
called_computation_lowered:
.L_overlay_start_0:
0x88: {  	s2 =	sld [smem:$0x3FD9]  }
0x89: {  	s3 =	sld [smem:$0x3FFE];
	_ =	sdelay $0x1  }
0x8a: {  	s1 =	srdreg.scid  }
0x8b: {  	s0 =	sand.u32 $0x1, s1  }
0x8c: {  	s16 =	sshll.u32 s0, $0xA;
	s2 =	sadd.s32 s3, s2  }
0x8d: {  	s2 =	sadd.s32 s2, s16  }
0x8e: {  	[smem:$0x3FB5] =	sst s2  }
0x8f: {  	_ = 	snop  }
0x90: {  	(tm) =	ssettm $0x1  }
0x91: {  	s17 =	sld [smem:$0x3FFB];
	_ =	sdelay $0x3  }
0x92: {  	_ =	strace s17  }
0x93: {  	s2 =	sld [smem:$0x3FFC];
	_ =	sdelay $0x3  }
0x94: {  	_ =	strace s2  }
0x95: {  	s2 =	sld [smem:$0x3FFD];
	_ =	sdelay $0x3  }
0x96: {  	_ =	strace s2  }
0x97: {  	_ =	strace $0x8FFFFFFF  }
0x98: {  	s18 =	sld [smem:$0x3FDB];
	_ =	sdelay $0x1  }
0x99: {  	s19 =	simm.s32 $_scs_section_size  }
0x9a: {  	s4 =	simm.s32 $_size__tile_overlayer_lowered;
	s5 =	simm.s32 $_tile_overlayer_lowered  }
0x9b: {  	s22 =	simm.s32 $0x1BFF;
	s21 =	sshll.u32 s5, $0x1;
	s2 =	sadd.s32 s19, s18  }
0x9c: {  	s6 =	simm.s32 $0x0;
	s20 =	sshll.u32 s4, $0x1;
	s4 =	sadd.s32 s21, s2  }
0x9d: {  	[timem:s6], [sflag:s22] =	dma.local [hbm:s4], s20  }
0x9e: {  	_ =	swait.ge [sflag:s22], s20  }
0x9f: {  	s3 =	ssub.s32 $0x0, s20;
	[sflag:s22] =	ssyncset.done $0x0  }
0xa0: {  	[sflag:s22] =	ssyncadd.s32 s3;
	_ =	sdelay $0x1  }
0xa1: {  	s23 =	simm.s32 $0x1B8B  }
0xa2: {  	_ =	swait.ge [sflag:s23], $0x1  }
0xa3: {  	[sflag:s23] =	ssyncset.done $0x0  }
0xa4: {  	s25 =	simm.s32 $0x1B8E;
	s24 =	sld [smem:$0x3FFE];
	[sflag:s23] =	ssyncadd.s32 $0xFFFFFFFF  }
0xa5: {  	s26 =	simm.s32 $execute0_lowered;
	[smem:$0x3FD2] =	sst s25  }
0xa6: {  	s4 =	sshll.u32 s26, $0x1;
	_ =	strace $0x80000046;
	[dreg:$0x1] =	wrdreg $0xFFFFFFFF  }
0xa7: {  	s28 =	simm.s32 $_size_execute0_lowered;
	s2 =	sadd.s32 s2, s4;
	[dreg:$0x0] =	wrdreg $0x0  }
0xa8: {  	s4 =	sshll.u32 s28, $0x1;
	[dreg:$0x2] =	wrdreg s2  }
0xa9: {  	[dreg:$0x3] =	wrdreg s4  }
0xaa: {  	[dreg:$0x4] =	wrdreg $0xC0  }
0xab: {  	_ =	task [dreg:s6], $0x5FFFF  }
0xac: {  	[dreg:$0x1] =	wrdreg $0xFFFFFFFF  }
0xad: {  	[dreg:$0x0] =	wrdreg $0x60  }
0xae: {  	[dreg:$0x2] =	wrdreg s24  }
0xaf: {  	[dreg:$0x3] =	wrdreg $0xB0000  }
0xb0: {  	[dreg:$0x4] =	wrdreg $0x9  }
0xb1: {  	_ =	task.clear_ibuf [dreg:s6], $0x5FFFF;
	_ =	strace $0x90000046  }
0xb2: {  	s29 =	simm.s32 $0x9;
	_ =	strace $0x80000048  }
0xb3: {  	_ =	swait.ge [sflag:s29], $0x1  }
0xb4: {  	[sflag:s29] =	ssyncadd.s32 $0xFFFFFFFF  }
0xb5: {  	_ =	strace $0x90000048  }
0xb6: {  	_ =	sfence  }
0xb7: {  	s30 =	sld [smem:$0x0];
	_ =	sdelay $0x2  }
0xb8: {  	s31 =	sshll.u32 s1, $0xD;
	s1 =	sshrl.u32 s1, $0x2  }
0xb9: {  	s3 =	sand.u32 $0x4000, s31;
	s1 =	sadd.s32 s1, s30  }
0xba: {  	s0 =	sor.u32 s3, s0;
	s1 =	sshll.u32 s1, $0x11  }
0xbb: {  	s0 =	sor.u32 s1, s0  }
0xbc: {  	s0 =	sadd.s32 $0x8F2B, s0  }
0xbd: {  	[sflag:s0] =	ssyncadd.remote.s32 $0x1  }
0xbe: {  	_ =	sfence.sel $0xFFFF  }
0xbf: {  	[dreg:$0x0] =	wrdreg $0xFFFFFFFF;
	(pc) =	sbr.abs _section_cstart, $3  }
0xc0: {  	[dreg:$0x1] =	wrdreg $0xFFFFFFFF  }
0xc1: {  	_ =	task.clear_ibuf [dreg:s6], $0x2FFFF;
	_ =	strace $0x9FFFFFFF  }
0xc2: {  	(tm) =	ssettm $0x7FFFFFFF  }
0xc3: {  	_ =	shalt  }
tec
execute0_lowered:
.L_overlay_start_1:
0x0: {  	(tag) =	ssettag $0x1  }
0x1: {  	s0 =	rddreg [dreg:$0x0]  }
0x2: {  	s2 =	rddreg [dreg:$0x1];
	s3 =	simm.s32 $0x0  }
0x3: {  	s11 =	stileid.u32;
	s1 =	srdreg.scid;
	s28 =	simm.s32 $0x3000  }
0x4: {  	s29 =	simm.s32 $0x7000;
	s30 =	simm.s32 $0x1;
	s5 =	smul.u32 $0x13C00, s11  }
0x5: {  	s31 =	simm.s32 $0x2;
	[smem:$0x7FF] =	sst s3;
	s9 =	smul.u32 $0x4F000, s11  }
0x6: {  	s1 =	sand.u32 $0x1, s1;
	s4 =	sadd.s32 $0x44600, s0;
	s10 =	smul.u32 $0x2C00, s11  }
0x7: {  	s8 =	sadd.s32 $0x23600, s0;
	s21 =	sadd.s32 $0x2600, s0;
	s6 =	smul.u32 $0x13C000, s1  }
0x8: {  	s23 =	sshll.u32 s11, $0x6;
	s18 =	smul.u32 $0x2C000, s1;
	s1 =	ssub.s32 $0x2, s1  }
0x9: {  	_ =	strace $0x80000047;
	s7 =	sshrl.u32 s5, $0x3;
	s19 =	sshrl.u32 s1, $0x1  }
0xa: {  	s9 =	sshrl.u32 s9, $0x2;
	s7 =	sadd.s32 s7, s0;
	s5 =	sadd.s32 s5, s6  }
0xb: {  	s1 =	ssub.s32 s1, s19;
	s20 =	sadd.s32 s9, s2;
	s22 =	sadd.s32 s10, s18  }
0xc: {  	s5 =	sshrl.u32 s5, $0x3;
	[dreg:$0x3] =	wrdreg s20;
	s6 =	sadd.s32 $0x6B800, s7  }
0xd: {  	s7 =	sor.u32 $0x1C03, s23;
	s0 =	sadd.s32 s5, s0;
	s5 =	sshrl.u32 s22, $0x3  }
0xe: {  	s23 =	smax.u32 s1, $0x1;
	s24 =	sadd.s32 s8, s5;
	s25 =	sadd.s32 $0x280, s5  }
0xf: {  	s26 =	sadd.s32 s21, s5;
	s12 =	sadd.s32 $0x93000, s0;
	s14 =	sadd.s32 $0xB000, s5  }
0x10: {  	s16 =	sadd.s32 $0xB280, s5;
	s17 =	sadd.s32 $0xE2000, s0;
	s19 =	sadd.s32 $0x16000, s5  }
0x11: {  	s5 =	sadd.s32 $0x16280, s5;
	s22 =	sadd.s32 $0x131000, s0;
	[dreg:$0x4] =	wrdreg s24  }
0x12: {  	s0 =	simm.s32 $0x0;
	[dreg:$0x5] =	wrdreg s26;
	s10 =	sadd.s32 s8, s25  }
0x13: {  	s11 =	sadd.s32 s21, s25;
	s13 =	sadd.s32 s8, s14;
	s14 =	sadd.s32 s21, s14  }
0x14: {  	s15 =	sadd.s32 s8, s16;
	s16 =	sadd.s32 s21, s16;
	s18 =	sadd.s32 s8, s19  }
0x15: {  	s19 =	sadd.s32 s21, s19;
	s20 =	sadd.s32 s8, s5;
	s21 =	sadd.s32 s21, s5  }
0x16: {  	s24 =	simm.s32 $0x3;
	s25 =	simm.s32 $0x1800;
	s26 =	simm.s32 $0x80  }
.LBB2_1:
0x17: {  	s1 =	rddreg [dreg:$0x3]  }
0x18: {  	s1 =	sshrl.u32 s1, $0x3  }
0x19: {  	[spmem:s1], [sflag:s7] =	dma.local [hbm:s6], $0x2780  }
0x1a: {  	_ =	swait.ge [sflag:s24], $0x2780  }
0x1b: {  	[sflag:s24] =	ssyncset.done $0x0  }
0x1c: {  	[sflag:s24] =	ssyncadd.s32 $0xFFFFD880  }
0x1d: {  	[bflag:$0x0] =	sbarrier.arrive $0xFFFF  }
0x1e: {  	s5 =	rddreg [dreg:$0x4]  }
0x1f: {  	[tilespmem:s3], [sflag:$0x3] =	stream.linear.gather [hbm4b:s5+s3], $0x1800, $0x38;
	[tilespmem:$0x1EC00] =	vst v63  }
0x20: {  	_ =	swait.ge [sflag:s24], $0x1800  }
0x21: {  	[sflag:s24] =	ssyncset.done $0x0  }
0x22: {  	s8 =	rddreg [dreg:$0x5];
	[sflag:s24] =	ssyncadd.s32 $0xFFFFE800  }
0x23: {  	[tilespmem:s25], [sflag:$0x3] =	stream.linear.gather [hbm4b:s8+s3], $0x1800, $0x38;
	[tilespmem:$0x1EC00] =	vst v63  }
0x24: {  	_ =	swait.ge [sflag:s24], $0x1800  }
0x25: {  	[sflag:s24] =	ssyncset.done $0x0  }
0x26: {  	[sflag:s24] =	ssyncadd.s32 $0xFFFFE800  }
0x27: {  	[tilespmem:s28], [sflag:$0x1] =	stream.indirect.gather [hbm4b:s4+s26], $0x80, s3, s26, $0xb8;
	[tilespmem:$0x1EC00] =	vst v63  }
0x28: {  	_ = 	snop  }
0x29: {  	[tilespmem:s29], [sflag:$0x2] =	stream.indirect.gather [hbm4b:s4+s26], $0x80, s26, s26, $0xb8;
	[tilespmem:$0x1EC00] =	vst v63  }
0x2a: {  	_ =	swait.ge [sflag:s30], $0x4000  }
0x2b: {  	[sflag:s30] =	ssyncset.done $0x0  }
0x2c: {  	s9 =	simm.s32 $0x1800;
	[sflag:s30] =	ssyncadd.s32 $0xFFFFC000  }
0x2d: {  	[spmem:s2] =	stream.indirect.scatter.add.f32 [tilespmem:s28], [sflag:$0x3], $0x80, s9, s26, $0xb8;
	[tilespmem:$0x1EC00] =	vst v63  }
0x2e: {  	_ =	swait.ge [sflag:s24], $0x4000  }
0x2f: {  	[sflag:s24] =	ssyncset.done $0x0  }
0x30: {  	s8 =	simm.s32 $0x100;
	[sflag:s24] =	ssyncadd.s32 $0xFFFFC000  }
0x31: {  	[tilespmem:s28], [sflag:$0x1] =	stream.indirect.gather [hbm4b:s4+s26], $0x80, s8, s26, $0xb8;
	[tilespmem:$0x1EC00] =	vst v63  }
0x32: {  	_ =	swait.ge [sflag:s31], $0x4000  }
0x33: {  	[sflag:s31] =	ssyncset.done $0x0  }
0x34: {  	s9 =	simm.s32 $0x1880;
	[sflag:s31] =	ssyncadd.s32 $0xFFFFC000  }
0x35: {  	[spmem:s2] =	stream.indirect.scatter.add.f32 [tilespmem:s29], [sflag:$0x3], $0x80, s9, s26, $0xb8;
	[tilespmem:$0x1EC00] =	vst v63  }
0x36: {  	_ =	swait.ge [sflag:s24], $0x4000  }
0x37: {  	[sflag:s24] =	ssyncset.done $0x0  }
0x38: {  	s5 =	simm.s32 $0x400;
	s8 =	simm.s32 $0x180;
	[sflag:s24] =	ssyncadd.s32 $0xFFFFC000  }
.LBB2_2:
0x39: {  	[tilespmem:s29], [sflag:$0x2] =	stream.indirect.gather [hbm4b:s4+s26], $0x80, s8, s26, $0xb8;
	[tilespmem:$0x1EC00] =	vst v63  }
0x3a: {  	s8 =	smov.u32 s5  }
0x3b: {  	p0 =	sne.s32 s5, $0x4C00;
	s5 =	sadd.s32 $0x400, s5;
	_ =	swait.ge [sflag:s30], $0x4000  }
0x3c: {  	s8 =	sshra.s32 s8, $0x2;
	[sflag:s30] =	ssyncset.done $0x0  }
0x3d: {  	s9 =	sadd.s32 $0x1800, s8;
	[sflag:s30] =	ssyncadd.s32 $0xFFFFC000  }
0x3e: {  	[spmem:s2] =	stream.indirect.scatter.add.f32 [tilespmem:s28], [sflag:$0x3], $0x80, s9, s26, $0xb8;
	[tilespmem:$0x1EC00] =	vst v63  }
0x3f: {  	_ =	swait.ge [sflag:s24], $0x4000  }
0x40: {  	[sflag:s24] =	ssyncset.done $0x0  }
0x41: {  	s9 =	sadd.s32 $0x100, s8;
	[sflag:s24] =	ssyncadd.s32 $0xFFFFC000  }
0x42: {  	[tilespmem:s28], [sflag:$0x1] =	stream.indirect.gather [hbm4b:s4+s26], $0x80, s9, s26, $0xb8;
	[tilespmem:$0x1EC00] =	vst v63  }
0x43: {  	_ =	swait.ge [sflag:s31], $0x4000  }
0x44: {  	[sflag:s31] =	ssyncset.done $0x0  }
.Ltmp0:
0x45: {  	s9 =	sadd.s32 $0x1880, s8;
	[sflag:s31] =	ssyncadd.s32 $0xFFFFC000;
	(pc) =	sbr.rel @p0 .LBB2_2-.Ltmp0, $4  }
0x46: {  	[spmem:s2] =	stream.indirect.scatter.add.f32 [tilespmem:s29], [sflag:$0x3], $0x80, s9, s26, $0xb8;
	[tilespmem:$0x1EC00] =	vst v63  }
0x47: {  	_ =	swait.ge [sflag:s24], $0x4000  }
0x48: {  	[sflag:s24] =	ssyncset.done $0x0  }
0x49: {  	s8 =	sadd.s32 $0x180, s8;
	[sflag:s24] =	ssyncadd.s32 $0xFFFFC000  }
0x4a: {  	[tilespmem:s29], [sflag:$0x2] =	stream.indirect.gather [hbm4b:s4+s26], $0x80, s8, s26, $0xb8;
	[tilespmem:$0x1EC00] =	vst v63  }
0x4b: {  	_ =	swait.ge [sflag:s30], $0x4000  }
0x4c: {  	[sflag:s30] =	ssyncset.done $0x0  }
0x4d: {  	[sflag:s30] =	ssyncadd.s32 $0xFFFFC000  }
0x4e: {  	_ =	swait.ge [sflag:s31], $0x4000  }
0x4f: {  	[sflag:s31] =	ssyncset.done $0x0  }
0x50: {  	s5 =	simm.s32 $0x0;
	[sflag:s31] =	ssyncadd.s32 $0xFFFFC000  }
0x51: {  	[tilespmem:s5], [sflag:$0x3] =	stream.linear.gather [hbm4b:s10+s5], $0x1800, $0x38;
	[tilespmem:$0x1EC00] =	vst v63  }
0x52: {  	_ =	swait.ge [sflag:s24], $0x1800  }
0x53: {  	[sflag:s24] =	ssyncset.done $0x0  }
0x54: {  	[sflag:s24] =	ssyncadd.s32 $0xFFFFE800  }
0x55: {  	[tilespmem:s25], [sflag:$0x3] =	stream.linear.gather [hbm4b:s11+s5], $0x1800, $0x38;
	[tilespmem:$0x1EC00] =	vst v63  }
0x56: {  	_ =	swait.ge [sflag:s24], $0x1800  }
0x57: {  	[sflag:s24] =	ssyncset.done $0x0  }
0x58: {  	[sflag:s24] =	ssyncadd.s32 $0xFFFFE800  }
0x59: {  	[tilespmem:s28], [sflag:$0x1] =	stream.indirect.gather [hbm4b:s4+s26], $0x80, s5, s26, $0xb8;
	[tilespmem:$0x1EC00] =	vst v63  }
0x5a: {  	_ = 	snop  }
0x5b: {  	[tilespmem:s29], [sflag:$0x2] =	stream.indirect.gather [hbm4b:s4+s26], $0x80, s26, s26, $0xb8;
	[tilespmem:$0x1EC00] =	vst v63  }
0x5c: {  	_ =	swait.ge [sflag:s30], $0x4000  }
0x5d: {  	[sflag:s30] =	ssyncset.done $0x0  }
0x5e: {  	s9 =	simm.s32 $0x1800;
	[sflag:s30] =	ssyncadd.s32 $0xFFFFC000  }
0x5f: {  	[spmem:s2] =	stream.indirect.scatter.add.f32 [tilespmem:s28], [sflag:$0x3], $0x80, s9, s26, $0xb8;
	[tilespmem:$0x1EC00] =	vst v63  }
0x60: {  	_ =	swait.ge [sflag:s24], $0x4000  }
0x61: {  	[sflag:s24] =	ssyncset.done $0x0  }
0x62: {  	s8 =	simm.s32 $0x100;
	[sflag:s24] =	ssyncadd.s32 $0xFFFFC000  }
0x63: {  	[tilespmem:s28], [sflag:$0x1] =	stream.indirect.gather [hbm4b:s4+s26], $0x80, s8, s26, $0xb8;
	[tilespmem:$0x1EC00] =	vst v63  }
0x64: {  	_ =	swait.ge [sflag:s31], $0x4000  }
0x65: {  	[sflag:s31] =	ssyncset.done $0x0  }
0x66: {  	s9 =	simm.s32 $0x1880;
	[sflag:s31] =	ssyncadd.s32 $0xFFFFC000  }
0x67: {  	[spmem:s2] =	stream.indirect.scatter.add.f32 [tilespmem:s29], [sflag:$0x3], $0x80, s9, s26, $0xb8;
	[tilespmem:$0x1EC00] =	vst v63  }
0x68: {  	_ =	swait.ge [sflag:s24], $0x4000  }
0x69: {  	[sflag:s24] =	ssyncset.done $0x0  }
0x6a: {  	s5 =	simm.s32 $0x400;
	s8 =	simm.s32 $0x180;
	[sflag:s24] =	ssyncadd.s32 $0xFFFFC000  }
.LBB2_4:
0x6b: {  	[tilespmem:s29], [sflag:$0x2] =	stream.indirect.gather [hbm4b:s4+s26], $0x80, s8, s26, $0xb8;
	[tilespmem:$0x1EC00] =	vst v63  }
0x6c: {  	s8 =	smov.u32 s5  }
0x6d: {  	p0 =	sne.s32 s5, $0x4C00;
	s5 =	sadd.s32 $0x400, s5;
	_ =	swait.ge [sflag:s30], $0x4000  }
0x6e: {  	s8 =	sshra.s32 s8, $0x2;
	[sflag:s30] =	ssyncset.done $0x0  }
0x6f: {  	s9 =	sadd.s32 $0x1800, s8;
	[sflag:s30] =	ssyncadd.s32 $0xFFFFC000  }
0x70: {  	[spmem:s2] =	stream.indirect.scatter.add.f32 [tilespmem:s28], [sflag:$0x3], $0x80, s9, s26, $0xb8;
	[tilespmem:$0x1EC00] =	vst v63  }
0x71: {  	_ =	swait.ge [sflag:s24], $0x4000  }
0x72: {  	[sflag:s24] =	ssyncset.done $0x0  }
0x73: {  	s9 =	sadd.s32 $0x100, s8;
	[sflag:s24] =	ssyncadd.s32 $0xFFFFC000  }
0x74: {  	[tilespmem:s28], [sflag:$0x1] =	stream.indirect.gather [hbm4b:s4+s26], $0x80, s9, s26, $0xb8;
	[tilespmem:$0x1EC00] =	vst v63  }
0x75: {  	_ =	swait.ge [sflag:s31], $0x4000  }
0x76: {  	[sflag:s31] =	ssyncset.done $0x0  }
.Ltmp1:
0x77: {  	s9 =	sadd.s32 $0x1880, s8;
	[sflag:s31] =	ssyncadd.s32 $0xFFFFC000;
	(pc) =	sbr.rel @p0 .LBB2_4-.Ltmp1, $4  }
0x78: {  	[spmem:s2] =	stream.indirect.scatter.add.f32 [tilespmem:s29], [sflag:$0x3], $0x80, s9, s26, $0xb8;
	[tilespmem:$0x1EC00] =	vst v63  }
0x79: {  	_ =	swait.ge [sflag:s24], $0x4000  }
0x7a: {  	[sflag:s24] =	ssyncset.done $0x0  }
0x7b: {  	s8 =	sadd.s32 $0x180, s8;
	[sflag:s24] =	ssyncadd.s32 $0xFFFFC000  }
0x7c: {  	[tilespmem:s29], [sflag:$0x2] =	stream.indirect.gather [hbm4b:s4+s26], $0x80, s8, s26, $0xb8;
	[tilespmem:$0x1EC00] =	vst v63  }
0x7d: {  	_ =	swait.ge [sflag:s30], $0x4000  }
0x7e: {  	[sflag:s30] =	ssyncset.done $0x0  }
0x7f: {  	[sflag:s30] =	ssyncadd.s32 $0xFFFFC000  }
0x80: {  	_ =	swait.ge [sflag:s31], $0x4000  }
0x81: {  	[sflag:s31] =	ssyncset.done $0x0  }
0x82: {  	[sflag:s31] =	ssyncadd.s32 $0xFFFFC000  }
0x83: {  	[bflag:$0x0] =	sbarrier.arrive $0xFFFF  }
0x84: {  	[hbm:s12], [sflag:s7] =	dma.local [spmem:s1], $0x2780  }
0x85: {  	_ =	swait.ge [sflag:s24], $0x2780  }
0x86: {  	[sflag:s24] =	ssyncset.done $0x0  }
0x87: {  	[sflag:s24] =	ssyncadd.s32 $0xFFFFD880  }
0x88: {  	[spmem:s1], [sflag:s7] =	dma.local [hbm:s6], $0x2780  }
0x89: {  	_ =	swait.ge [sflag:s24], $0x2780  }
0x8a: {  	[sflag:s24] =	ssyncset.done $0x0  }
0x8b: {  	[sflag:s24] =	ssyncadd.s32 $0xFFFFD880  }
0x8c: {  	s5 =	simm.s32 $0x0;
	[bflag:$0x0] =	sbarrier.arrive $0xFFFF  }
0x8d: {  	[tilespmem:s5], [sflag:$0x3] =	stream.linear.gather [hbm4b:s13+s5], $0x1800, $0x38;
	[tilespmem:$0x1EC00] =	vst v63  }
0x8e: {  	_ =	swait.ge [sflag:s24], $0x1800  }
0x8f: {  	[sflag:s24] =	ssyncset.done $0x0  }
0x90: {  	[sflag:s24] =	ssyncadd.s32 $0xFFFFE800  }
0x91: {  	[tilespmem:s25], [sflag:$0x3] =	stream.linear.gather [hbm4b:s14+s5], $0x1800, $0x38;
	[tilespmem:$0x1EC00] =	vst v63  }
0x92: {  	_ =	swait.ge [sflag:s24], $0x1800  }
0x93: {  	[sflag:s24] =	ssyncset.done $0x0  }
0x94: {  	[sflag:s24] =	ssyncadd.s32 $0xFFFFE800  }
0x95: {  	[tilespmem:s28], [sflag:$0x1] =	stream.indirect.gather [hbm4b:s4+s26], $0x80, s5, s26, $0xb8;
	[tilespmem:$0x1EC00] =	vst v63  }
0x96: {  	_ = 	snop  }
0x97: {  	[tilespmem:s29], [sflag:$0x2] =	stream.indirect.gather [hbm4b:s4+s26], $0x80, s26, s26, $0xb8;
	[tilespmem:$0x1EC00] =	vst v63  }
0x98: {  	_ =	swait.ge [sflag:s30], $0x4000  }
0x99: {  	[sflag:s30] =	ssyncset.done $0x0  }
0x9a: {  	s9 =	simm.s32 $0x1800;
	[sflag:s30] =	ssyncadd.s32 $0xFFFFC000  }
0x9b: {  	[spmem:s2] =	stream.indirect.scatter.add.f32 [tilespmem:s28], [sflag:$0x3], $0x80, s9, s26, $0xb8;
	[tilespmem:$0x1EC00] =	vst v63  }
0x9c: {  	_ =	swait.ge [sflag:s24], $0x4000  }
0x9d: {  	[sflag:s24] =	ssyncset.done $0x0  }
0x9e: {  	s8 =	simm.s32 $0x100;
	[sflag:s24] =	ssyncadd.s32 $0xFFFFC000  }
0x9f: {  	[tilespmem:s28], [sflag:$0x1] =	stream.indirect.gather [hbm4b:s4+s26], $0x80, s8, s26, $0xb8;
	[tilespmem:$0x1EC00] =	vst v63  }
0xa0: {  	_ =	swait.ge [sflag:s31], $0x4000  }
0xa1: {  	[sflag:s31] =	ssyncset.done $0x0  }
0xa2: {  	s9 =	simm.s32 $0x1880;
	[sflag:s31] =	ssyncadd.s32 $0xFFFFC000  }
0xa3: {  	[spmem:s2] =	stream.indirect.scatter.add.f32 [tilespmem:s29], [sflag:$0x3], $0x80, s9, s26, $0xb8;
	[tilespmem:$0x1EC00] =	vst v63  }
0xa4: {  	_ =	swait.ge [sflag:s24], $0x4000  }
0xa5: {  	[sflag:s24] =	ssyncset.done $0x0  }
0xa6: {  	s5 =	simm.s32 $0x400;
	s8 =	simm.s32 $0x180;
	[sflag:s24] =	ssyncadd.s32 $0xFFFFC000  }
.LBB2_6:
0xa7: {  	[tilespmem:s29], [sflag:$0x2] =	stream.indirect.gather [hbm4b:s4+s26], $0x80, s8, s26, $0xb8;
	[tilespmem:$0x1EC00] =	vst v63  }
0xa8: {  	s8 =	smov.u32 s5  }
0xa9: {  	p0 =	sne.s32 s5, $0x4C00;
	s5 =	sadd.s32 $0x400, s5;
	_ =	swait.ge [sflag:s30], $0x4000  }
0xaa: {  	s8 =	sshra.s32 s8, $0x2;
	[sflag:s30] =	ssyncset.done $0x0  }
0xab: {  	s9 =	sadd.s32 $0x1800, s8;
	[sflag:s30] =	ssyncadd.s32 $0xFFFFC000  }
0xac: {  	[spmem:s2] =	stream.indirect.scatter.add.f32 [tilespmem:s28], [sflag:$0x3], $0x80, s9, s26, $0xb8;
	[tilespmem:$0x1EC00] =	vst v63  }
0xad: {  	_ =	swait.ge [sflag:s24], $0x4000  }
0xae: {  	[sflag:s24] =	ssyncset.done $0x0  }
0xaf: {  	s9 =	sadd.s32 $0x100, s8;
	[sflag:s24] =	ssyncadd.s32 $0xFFFFC000  }
0xb0: {  	[tilespmem:s28], [sflag:$0x1] =	stream.indirect.gather [hbm4b:s4+s26], $0x80, s9, s26, $0xb8;
	[tilespmem:$0x1EC00] =	vst v63  }
0xb1: {  	_ =	swait.ge [sflag:s31], $0x4000  }
0xb2: {  	[sflag:s31] =	ssyncset.done $0x0  }
.Ltmp2:
0xb3: {  	s9 =	sadd.s32 $0x1880, s8;
	[sflag:s31] =	ssyncadd.s32 $0xFFFFC000;
	(pc) =	sbr.rel @p0 .LBB2_6-.Ltmp2, $4  }
0xb4: {  	[spmem:s2] =	stream.indirect.scatter.add.f32 [tilespmem:s29], [sflag:$0x3], $0x80, s9, s26, $0xb8;
	[tilespmem:$0x1EC00] =	vst v63  }
0xb5: {  	_ =	swait.ge [sflag:s24], $0x4000  }
0xb6: {  	[sflag:s24] =	ssyncset.done $0x0  }
0xb7: {  	s8 =	sadd.s32 $0x180, s8;
	[sflag:s24] =	ssyncadd.s32 $0xFFFFC000  }
0xb8: {  	[tilespmem:s29], [sflag:$0x2] =	stream.indirect.gather [hbm4b:s4+s26], $0x80, s8, s26, $0xb8;
	[tilespmem:$0x1EC00] =	vst v63  }
0xb9: {  	_ =	swait.ge [sflag:s30], $0x4000  }
0xba: {  	[sflag:s30] =	ssyncset.done $0x0  }
0xbb: {  	[sflag:s30] =	ssyncadd.s32 $0xFFFFC000  }
0xbc: {  	_ =	swait.ge [sflag:s31], $0x4000  }
0xbd: {  	[sflag:s31] =	ssyncset.done $0x0  }
0xbe: {  	s5 =	simm.s32 $0x0;
	[sflag:s31] =	ssyncadd.s32 $0xFFFFC000  }
0xbf: {  	[tilespmem:s5], [sflag:$0x3] =	stream.linear.gather [hbm4b:s15+s5], $0x1800, $0x38;
	[tilespmem:$0x1EC00] =	vst v63  }
0xc0: {  	_ =	swait.ge [sflag:s24], $0x1800  }
0xc1: {  	[sflag:s24] =	ssyncset.done $0x0  }
0xc2: {  	[sflag:s24] =	ssyncadd.s32 $0xFFFFE800  }
0xc3: {  	[tilespmem:s25], [sflag:$0x3] =	stream.linear.gather [hbm4b:s16+s5], $0x1800, $0x38;
	[tilespmem:$0x1EC00] =	vst v63  }
0xc4: {  	_ =	swait.ge [sflag:s24], $0x1800  }
0xc5: {  	[sflag:s24] =	ssyncset.done $0x0  }
0xc6: {  	[sflag:s24] =	ssyncadd.s32 $0xFFFFE800  }
0xc7: {  	[tilespmem:s28], [sflag:$0x1] =	stream.indirect.gather [hbm4b:s4+s26], $0x80, s5, s26, $0xb8;
	[tilespmem:$0x1EC00] =	vst v63  }
0xc8: {  	_ = 	snop  }
0xc9: {  	[tilespmem:s29], [sflag:$0x2] =	stream.indirect.gather [hbm4b:s4+s26], $0x80, s26, s26, $0xb8;
	[tilespmem:$0x1EC00] =	vst v63  }
0xca: {  	_ =	swait.ge [sflag:s30], $0x4000  }
0xcb: {  	[sflag:s30] =	ssyncset.done $0x0  }
0xcc: {  	s9 =	simm.s32 $0x1800;
	[sflag:s30] =	ssyncadd.s32 $0xFFFFC000  }
0xcd: {  	[spmem:s2] =	stream.indirect.scatter.add.f32 [tilespmem:s28], [sflag:$0x3], $0x80, s9, s26, $0xb8;
	[tilespmem:$0x1EC00] =	vst v63  }
0xce: {  	_ =	swait.ge [sflag:s24], $0x4000  }
0xcf: {  	[sflag:s24] =	ssyncset.done $0x0  }
0xd0: {  	s8 =	simm.s32 $0x100;
	[sflag:s24] =	ssyncadd.s32 $0xFFFFC000  }
0xd1: {  	[tilespmem:s28], [sflag:$0x1] =	stream.indirect.gather [hbm4b:s4+s26], $0x80, s8, s26, $0xb8;
	[tilespmem:$0x1EC00] =	vst v63  }
0xd2: {  	_ =	swait.ge [sflag:s31], $0x4000  }
0xd3: {  	[sflag:s31] =	ssyncset.done $0x0  }
0xd4: {  	s9 =	simm.s32 $0x1880;
	[sflag:s31] =	ssyncadd.s32 $0xFFFFC000  }
0xd5: {  	[spmem:s2] =	stream.indirect.scatter.add.f32 [tilespmem:s29], [sflag:$0x3], $0x80, s9, s26, $0xb8;
	[tilespmem:$0x1EC00] =	vst v63  }
0xd6: {  	_ =	swait.ge [sflag:s24], $0x4000  }
0xd7: {  	[sflag:s24] =	ssyncset.done $0x0  }
0xd8: {  	s5 =	simm.s32 $0x400;
	s8 =	simm.s32 $0x180;
	[sflag:s24] =	ssyncadd.s32 $0xFFFFC000  }
.LBB2_8:
0xd9: {  	[tilespmem:s29], [sflag:$0x2] =	stream.indirect.gather [hbm4b:s4+s26], $0x80, s8, s26, $0xb8;
	[tilespmem:$0x1EC00] =	vst v63  }
0xda: {  	s8 =	smov.u32 s5  }
0xdb: {  	p0 =	sne.s32 s5, $0x4C00;
	s5 =	sadd.s32 $0x400, s5;
	_ =	swait.ge [sflag:s30], $0x4000  }
0xdc: {  	s8 =	sshra.s32 s8, $0x2;
	[sflag:s30] =	ssyncset.done $0x0  }
0xdd: {  	s9 =	sadd.s32 $0x1800, s8;
	[sflag:s30] =	ssyncadd.s32 $0xFFFFC000  }
0xde: {  	[spmem:s2] =	stream.indirect.scatter.add.f32 [tilespmem:s28], [sflag:$0x3], $0x80, s9, s26, $0xb8;
	[tilespmem:$0x1EC00] =	vst v63  }
0xdf: {  	_ =	swait.ge [sflag:s24], $0x4000  }
0xe0: {  	[sflag:s24] =	ssyncset.done $0x0  }
0xe1: {  	s9 =	sadd.s32 $0x100, s8;
	[sflag:s24] =	ssyncadd.s32 $0xFFFFC000  }
0xe2: {  	[tilespmem:s28], [sflag:$0x1] =	stream.indirect.gather [hbm4b:s4+s26], $0x80, s9, s26, $0xb8;
	[tilespmem:$0x1EC00] =	vst v63  }
0xe3: {  	_ =	swait.ge [sflag:s31], $0x4000  }
0xe4: {  	[sflag:s31] =	ssyncset.done $0x0  }
.Ltmp3:
0xe5: {  	s9 =	sadd.s32 $0x1880, s8;
	[sflag:s31] =	ssyncadd.s32 $0xFFFFC000;
	(pc) =	sbr.rel @p0 .LBB2_8-.Ltmp3, $4  }
0xe6: {  	[spmem:s2] =	stream.indirect.scatter.add.f32 [tilespmem:s29], [sflag:$0x3], $0x80, s9, s26, $0xb8;
	[tilespmem:$0x1EC00] =	vst v63  }
0xe7: {  	_ =	swait.ge [sflag:s24], $0x4000  }
0xe8: {  	[sflag:s24] =	ssyncset.done $0x0  }
0xe9: {  	s8 =	sadd.s32 $0x180, s8;
	[sflag:s24] =	ssyncadd.s32 $0xFFFFC000  }
0xea: {  	[tilespmem:s29], [sflag:$0x2] =	stream.indirect.gather [hbm4b:s4+s26], $0x80, s8, s26, $0xb8;
	[tilespmem:$0x1EC00] =	vst v63  }
0xeb: {  	_ =	swait.ge [sflag:s30], $0x4000  }
0xec: {  	[sflag:s30] =	ssyncset.done $0x0  }
0xed: {  	[sflag:s30] =	ssyncadd.s32 $0xFFFFC000  }
0xee: {  	_ =	swait.ge [sflag:s31], $0x4000  }
0xef: {  	[sflag:s31] =	ssyncset.done $0x0  }
0xf0: {  	[sflag:s31] =	ssyncadd.s32 $0xFFFFC000  }
0xf1: {  	[bflag:$0x0] =	sbarrier.arrive $0xFFFF  }
0xf2: {  	[hbm:s17], [sflag:s7] =	dma.local [spmem:s1], $0x2780  }
0xf3: {  	_ =	swait.ge [sflag:s24], $0x2780  }
0xf4: {  	[sflag:s24] =	ssyncset.done $0x0  }
0xf5: {  	[sflag:s24] =	ssyncadd.s32 $0xFFFFD880  }
0xf6: {  	[spmem:s1], [sflag:s7] =	dma.local [hbm:s6], $0x2780  }
0xf7: {  	_ =	swait.ge [sflag:s24], $0x2780  }
0xf8: {  	[sflag:s24] =	ssyncset.done $0x0  }
0xf9: {  	[sflag:s24] =	ssyncadd.s32 $0xFFFFD880  }
0xfa: {  	s5 =	simm.s32 $0x0;
	[bflag:$0x0] =	sbarrier.arrive $0xFFFF  }
0xfb: {  	[tilespmem:s5], [sflag:$0x3] =	stream.linear.gather [hbm4b:s18+s5], $0x1800, $0x38;
	[tilespmem:$0x1EC00] =	vst v63  }
0xfc: {  	_ =	swait.ge [sflag:s24], $0x1800  }
0xfd: {  	[sflag:s24] =	ssyncset.done $0x0  }
0xfe: {  	[sflag:s24] =	ssyncadd.s32 $0xFFFFE800  }
0xff: {  	[tilespmem:s25], [sflag:$0x3] =	stream.linear.gather [hbm4b:s19+s5], $0x1800, $0x38;
	[tilespmem:$0x1EC00] =	vst v63  }
0x100: {  	_ =	swait.ge [sflag:s24], $0x1800  }
0x101: {  	[sflag:s24] =	ssyncset.done $0x0  }
0x102: {  	[sflag:s24] =	ssyncadd.s32 $0xFFFFE800  }
0x103: {  	[tilespmem:s28], [sflag:$0x1] =	stream.indirect.gather [hbm4b:s4+s26], $0x80, s5, s26, $0xb8;
	[tilespmem:$0x1EC00] =	vst v63  }
0x104: {  	_ = 	snop  }
0x105: {  	[tilespmem:s29], [sflag:$0x2] =	stream.indirect.gather [hbm4b:s4+s26], $0x80, s26, s26, $0xb8;
	[tilespmem:$0x1EC00] =	vst v63  }
0x106: {  	_ =	swait.ge [sflag:s30], $0x4000  }
0x107: {  	[sflag:s30] =	ssyncset.done $0x0  }
0x108: {  	s9 =	simm.s32 $0x1800;
	[sflag:s30] =	ssyncadd.s32 $0xFFFFC000  }
0x109: {  	[spmem:s2] =	stream.indirect.scatter.add.f32 [tilespmem:s28], [sflag:$0x3], $0x80, s9, s26, $0xb8;
	[tilespmem:$0x1EC00] =	vst v63  }
0x10a: {  	_ =	swait.ge [sflag:s24], $0x4000  }
0x10b: {  	[sflag:s24] =	ssyncset.done $0x0  }
0x10c: {  	s8 =	simm.s32 $0x100;
	[sflag:s24] =	ssyncadd.s32 $0xFFFFC000  }
0x10d: {  	[tilespmem:s28], [sflag:$0x1] =	stream.indirect.gather [hbm4b:s4+s26], $0x80, s8, s26, $0xb8;
	[tilespmem:$0x1EC00] =	vst v63  }
0x10e: {  	_ =	swait.ge [sflag:s31], $0x4000  }
0x10f: {  	[sflag:s31] =	ssyncset.done $0x0  }
0x110: {  	s9 =	simm.s32 $0x1880;
	[sflag:s31] =	ssyncadd.s32 $0xFFFFC000  }
0x111: {  	[spmem:s2] =	stream.indirect.scatter.add.f32 [tilespmem:s29], [sflag:$0x3], $0x80, s9, s26, $0xb8;
	[tilespmem:$0x1EC00] =	vst v63  }
0x112: {  	_ =	swait.ge [sflag:s24], $0x4000  }
0x113: {  	[sflag:s24] =	ssyncset.done $0x0  }
0x114: {  	s5 =	simm.s32 $0x400;
	s8 =	simm.s32 $0x180;
	[sflag:s24] =	ssyncadd.s32 $0xFFFFC000  }
.LBB2_10:
0x115: {  	[tilespmem:s29], [sflag:$0x2] =	stream.indirect.gather [hbm4b:s4+s26], $0x80, s8, s26, $0xb8;
	[tilespmem:$0x1EC00] =	vst v63  }
0x116: {  	s8 =	smov.u32 s5  }
0x117: {  	p0 =	sne.s32 s5, $0x4C00;
	s5 =	sadd.s32 $0x400, s5;
	_ =	swait.ge [sflag:s30], $0x4000  }
0x118: {  	s8 =	sshra.s32 s8, $0x2;
	[sflag:s30] =	ssyncset.done $0x0  }
0x119: {  	s9 =	sadd.s32 $0x1800, s8;
	[sflag:s30] =	ssyncadd.s32 $0xFFFFC000  }
0x11a: {  	[spmem:s2] =	stream.indirect.scatter.add.f32 [tilespmem:s28], [sflag:$0x3], $0x80, s9, s26, $0xb8;
	[tilespmem:$0x1EC00] =	vst v63  }
0x11b: {  	_ =	swait.ge [sflag:s24], $0x4000  }
0x11c: {  	[sflag:s24] =	ssyncset.done $0x0  }
0x11d: {  	s9 =	sadd.s32 $0x100, s8;
	[sflag:s24] =	ssyncadd.s32 $0xFFFFC000  }
0x11e: {  	[tilespmem:s28], [sflag:$0x1] =	stream.indirect.gather [hbm4b:s4+s26], $0x80, s9, s26, $0xb8;
	[tilespmem:$0x1EC00] =	vst v63  }
0x11f: {  	_ =	swait.ge [sflag:s31], $0x4000  }
0x120: {  	[sflag:s31] =	ssyncset.done $0x0  }
.Ltmp4:
0x121: {  	s9 =	sadd.s32 $0x1880, s8;
	[sflag:s31] =	ssyncadd.s32 $0xFFFFC000;
	(pc) =	sbr.rel @p0 .LBB2_10-.Ltmp4, $4  }
0x122: {  	[spmem:s2] =	stream.indirect.scatter.add.f32 [tilespmem:s29], [sflag:$0x3], $0x80, s9, s26, $0xb8;
	[tilespmem:$0x1EC00] =	vst v63  }
0x123: {  	_ =	swait.ge [sflag:s24], $0x4000  }
0x124: {  	[sflag:s24] =	ssyncset.done $0x0  }
0x125: {  	s8 =	sadd.s32 $0x180, s8;
	[sflag:s24] =	ssyncadd.s32 $0xFFFFC000  }
0x126: {  	[tilespmem:s29], [sflag:$0x2] =	stream.indirect.gather [hbm4b:s4+s26], $0x80, s8, s26, $0xb8;
	[tilespmem:$0x1EC00] =	vst v63  }
0x127: {  	_ =	swait.ge [sflag:s30], $0x4000  }
0x128: {  	[sflag:s30] =	ssyncset.done $0x0  }
0x129: {  	[sflag:s30] =	ssyncadd.s32 $0xFFFFC000  }
0x12a: {  	_ =	swait.ge [sflag:s31], $0x4000  }
0x12b: {  	[sflag:s31] =	ssyncset.done $0x0  }
0x12c: {  	s5 =	simm.s32 $0x0;
	[sflag:s31] =	ssyncadd.s32 $0xFFFFC000  }
0x12d: {  	[tilespmem:s5], [sflag:$0x3] =	stream.linear.gather [hbm4b:s20+s5], $0x1800, $0x38;
	[tilespmem:$0x1EC00] =	vst v63  }
0x12e: {  	_ =	swait.ge [sflag:s24], $0x1800  }
0x12f: {  	[sflag:s24] =	ssyncset.done $0x0  }
0x130: {  	[sflag:s24] =	ssyncadd.s32 $0xFFFFE800  }
0x131: {  	[tilespmem:s25], [sflag:$0x3] =	stream.linear.gather [hbm4b:s21+s5], $0x1800, $0x38;
	[tilespmem:$0x1EC00] =	vst v63  }
0x132: {  	_ =	swait.ge [sflag:s24], $0x1800  }
0x133: {  	[sflag:s24] =	ssyncset.done $0x0  }
0x134: {  	[sflag:s24] =	ssyncadd.s32 $0xFFFFE800  }
0x135: {  	[tilespmem:s28], [sflag:$0x1] =	stream.indirect.gather [hbm4b:s4+s26], $0x80, s5, s26, $0xb8;
	[tilespmem:$0x1EC00] =	vst v63  }
0x136: {  	_ = 	snop  }
0x137: {  	[tilespmem:s29], [sflag:$0x2] =	stream.indirect.gather [hbm4b:s4+s26], $0x80, s26, s26, $0xb8;
	[tilespmem:$0x1EC00] =	vst v63  }
0x138: {  	_ =	swait.ge [sflag:s30], $0x4000  }
0x139: {  	[sflag:s30] =	ssyncset.done $0x0  }
0x13a: {  	s9 =	simm.s32 $0x1800;
	[sflag:s30] =	ssyncadd.s32 $0xFFFFC000  }
0x13b: {  	[spmem:s2] =	stream.indirect.scatter.add.f32 [tilespmem:s28], [sflag:$0x3], $0x80, s9, s26, $0xb8;
	[tilespmem:$0x1EC00] =	vst v63  }
0x13c: {  	_ =	swait.ge [sflag:s24], $0x4000  }
0x13d: {  	[sflag:s24] =	ssyncset.done $0x0  }
0x13e: {  	s8 =	simm.s32 $0x100;
	[sflag:s24] =	ssyncadd.s32 $0xFFFFC000  }
0x13f: {  	[tilespmem:s28], [sflag:$0x1] =	stream.indirect.gather [hbm4b:s4+s26], $0x80, s8, s26, $0xb8;
	[tilespmem:$0x1EC00] =	vst v63  }
0x140: {  	_ =	swait.ge [sflag:s31], $0x4000  }
0x141: {  	[sflag:s31] =	ssyncset.done $0x0  }
0x142: {  	s9 =	simm.s32 $0x1880;
	[sflag:s31] =	ssyncadd.s32 $0xFFFFC000  }
0x143: {  	[spmem:s2] =	stream.indirect.scatter.add.f32 [tilespmem:s29], [sflag:$0x3], $0x80, s9, s26, $0xb8;
	[tilespmem:$0x1EC00] =	vst v63  }
0x144: {  	_ =	swait.ge [sflag:s24], $0x4000  }
0x145: {  	[sflag:s24] =	ssyncset.done $0x0  }
0x146: {  	s5 =	simm.s32 $0x400;
	s8 =	simm.s32 $0x180;
	[sflag:s24] =	ssyncadd.s32 $0xFFFFC000  }
.LBB2_12:
0x147: {  	[tilespmem:s29], [sflag:$0x2] =	stream.indirect.gather [hbm4b:s4+s26], $0x80, s8, s26, $0xb8;
	[tilespmem:$0x1EC00] =	vst v63  }
0x148: {  	s8 =	smov.u32 s5  }
0x149: {  	p0 =	sne.s32 s5, $0x4C00;
	s5 =	sadd.s32 $0x400, s5;
	_ =	swait.ge [sflag:s30], $0x4000  }
0x14a: {  	s8 =	sshra.s32 s8, $0x2;
	[sflag:s30] =	ssyncset.done $0x0  }
0x14b: {  	s9 =	sadd.s32 $0x1800, s8;
	[sflag:s30] =	ssyncadd.s32 $0xFFFFC000  }
0x14c: {  	[spmem:s2] =	stream.indirect.scatter.add.f32 [tilespmem:s28], [sflag:$0x3], $0x80, s9, s26, $0xb8;
	[tilespmem:$0x1EC00] =	vst v63  }
0x14d: {  	_ =	swait.ge [sflag:s24], $0x4000  }
0x14e: {  	[sflag:s24] =	ssyncset.done $0x0  }
0x14f: {  	s9 =	sadd.s32 $0x100, s8;
	[sflag:s24] =	ssyncadd.s32 $0xFFFFC000  }
0x150: {  	[tilespmem:s28], [sflag:$0x1] =	stream.indirect.gather [hbm4b:s4+s26], $0x80, s9, s26, $0xb8;
	[tilespmem:$0x1EC00] =	vst v63  }
0x151: {  	_ =	swait.ge [sflag:s31], $0x4000  }
0x152: {  	[sflag:s31] =	ssyncset.done $0x0  }
.Ltmp5:
0x153: {  	s9 =	sadd.s32 $0x1880, s8;
	[sflag:s31] =	ssyncadd.s32 $0xFFFFC000;
	(pc) =	sbr.rel @p0 .LBB2_12-.Ltmp5, $4  }
0x154: {  	[spmem:s2] =	stream.indirect.scatter.add.f32 [tilespmem:s29], [sflag:$0x3], $0x80, s9, s26, $0xb8;
	[tilespmem:$0x1EC00] =	vst v63  }
0x155: {  	_ =	swait.ge [sflag:s24], $0x4000  }
0x156: {  	[sflag:s24] =	ssyncset.done $0x0  }
0x157: {  	s8 =	sadd.s32 $0x180, s8;
	[sflag:s24] =	ssyncadd.s32 $0xFFFFC000  }
0x158: {  	[tilespmem:s29], [sflag:$0x2] =	stream.indirect.gather [hbm4b:s4+s26], $0x80, s8, s26, $0xb8;
	[tilespmem:$0x1EC00] =	vst v63  }
0x159: {  	_ =	swait.ge [sflag:s30], $0x4000  }
0x15a: {  	[sflag:s30] =	ssyncset.done $0x0  }
0x15b: {  	[sflag:s30] =	ssyncadd.s32 $0xFFFFC000  }
0x15c: {  	_ =	swait.ge [sflag:s31], $0x4000  }
0x15d: {  	s0 =	sadd.s32 $0x1, s0;
	[sflag:s31] =	ssyncset.done $0x0  }
0x15e: {  	p0 =	sne.s32 s0, s23;
	[sflag:s31] =	ssyncadd.s32 $0xFFFFC000  }
.Ltmp6:
0x15f: {  	[bflag:$0x0] =	sbarrier.arrive $0xFFFF;
	(pc) =	sbr.rel @p0 .LBB2_1-.Ltmp6, $4  }
0x160: {  	[hbm:s22], [sflag:s7] =	dma.local [spmem:s1], $0x2780  }
0x161: {  	_ =	swait.ge [sflag:s24], $0x2780  }
0x162: {  	[sflag:s24] =	ssyncset.done $0x0  }
0x163: {  	[sflag:s24] =	ssyncadd.s32 $0xFFFFD880  }
0x164: {  	_ =	sfence.sel $0x180000  }
0x165: {  	[bflag:$0x0] =	sbarrier.arrive $0xFFFF  }
0x166: {  	_ =	strace $0x90000047  }
0x167: {  	s0 =	stileid.u32;
	[bflag:$0x2] =	sbarrier.arrive $0xFFFF  }
0x168: {  	p0 =	sne.s32 s0, $0x0;
	s0 =	rddreg [dreg:$0x2]  }
0x169: {  	s0 =	sadd.s32 @!p0 $0x100000, s0  }
0x16a: {  	[sflag:s0] =	ssyncadd.tile.s32 @!p0 $0x1;
	_ =	shalt  }
.Lfunc_end2:
_tile_overlayer_lowered:
.L_overlay_start_2:
0x16b: {  	(tag) =	ssettag $0x2  }
0x16c: {  	s0 =	rddreg [dreg:$0x0];
	s2 =	stileid.u32  }
0x16d: {  	s1 =	rddreg [dreg:$0x1];
	p0 =	sne.s32 s2, $0x0  }
0x16e: {  	s3 =	rddreg [dreg:$0x2];
	[bflag:$0x3] =	sbarrier.arrive $0xFFFF;
	s2 =	simm.s32 @!p0 $0x1C03  }
0x16f: {  	[timem:s3], [sflag:s2] =	dma.local @!p0 [hbm:s0], s1  }
0x170: {  	s0 =	simm.s32 @!p0 $0x3  }
0x171: {  	_ =	swait.ge @!p0 [sflag:s0], s1  }
0x172: {  	s1 =	ssub.s32 @!p0 $0x0, s1;
	[sflag:s0] =	ssyncset.done @!p0 $0x0  }
0x173: {  	[sflag:s0] =	ssyncadd.s32 @!p0 s1  }
0x174: {  	[bflag:$0x3] =	sbarrier.arrive $0xFFFF  }
0x175: {  	_ =	shalt  }

</sc_bundles>
